<compile_context>
chip_gen: v7x
topology: tpu7x:2x2x1
jax: 0.10.2.dev20260603
libtpu: 0.0.44.dev20260713+nightly
codegen_flags: <defaults>
</compile_context>

<pallas_src>
import functools

import jax
import jax.numpy as jnp
import numpy as np
from jax import lax
from jax.experimental import pallas as pl
from jax.experimental.pallas import tpu as pltpu
from jax.experimental.pallas import tpu_sc as plsc

_LANES = 16


def _interleave_perm(D):
    q = np.empty(32, np.int32)
    q[0::2] = np.arange(16)
    q[1::2] = np.arange(16, 32)
    return np.concatenate([c * 32 + q for c in range(D // 32)])


@functools.partial(jax.jit, static_argnums=(4, 5, 6))
def _sc_fused(idx, posd, w2, t2, N, D, A):
    V = t2.shape[0] * 2 // D
    NW = 32
    RPW = N // NW
    R = 320
    NBLK = RPW // R
    C = D // 32
    assert RPW % R == 0 and N % NW == 0 and NBLK % 2 == 0

    mesh = plsc.VectorSubcoreMesh(core_axis_name="c", subcore_axis_name="s")

    @functools.partial(
        pl.kernel,
        mesh=mesh,
        compiler_params=pltpu.CompilerParams(needs_layout_passes=False),
        out_type=jax.ShapeDtypeStruct((N * D,), jnp.float32),
        scratch_types=[
            pltpu.VMEM((2 * R,), jnp.int32),
            pltpu.VMEM((2 * R * A,), jnp.uint32),
            pltpu.VMEM((2 * R * D,), jnp.float32),
            pltpu.VMEM((V * D // 2,), jnp.uint32),
            pltpu.VMEM((A * D // 2,), jnp.uint32),
            pltpu.SemaphoreType.DMA,
            pltpu.SemaphoreType.DMA,
            pltpu.SemaphoreType.DMA,
            pltpu.SemaphoreType.DMA,
        ],
    )
    def k(idx_hbm, posd_hbm, w2_hbm, t2_hbm, out_hbm, idx_v, posd_v, out_v,
          t2_v, w2_v, sin0, sin1, sout0, sout1):
        sins = (sin0, sin1)
        souts = (sout0, sout1)
        wid = lax.axis_index("s") * 2 + lax.axis_index("c")
        base = wid * RPW
        pltpu.sync_copy(t2_hbm, t2_v)
        pltpu.sync_copy(w2_hbm, w2_v)
        w2regs = [
            [
                plsc.bitcast(
                    w2_v[pl.ds(a * (D // 2) + c * _LANES, _LANES)], jnp.bfloat16
                )
                for c in range(C)
            ]
            for a in range(A)
        ]

        def start_in(j, b):
            row0 = base + j * R
            pltpu.async_copy(idx_hbm.at[pl.ds(row0, R)], idx_v.at[pl.ds(b * R, R)], sins[b])
            for a in range(A):
                pltpu.async_copy(
                    posd_hbm.at[pl.ds(a * N + row0, R)],
                    posd_v.at[pl.ds((b * A + a) * R, R)],
                    sins[b],
                )

        def wait_in(b):
            pltpu.make_async_copy(
                idx_hbm.at[pl.ds(0, R)], idx_v.at[pl.ds(b * R, R)], sins[b]
            ).wait()
            pltpu.make_async_copy(
                posd_hbm.at[pl.ds(0, R * A)], posd_v.at[pl.ds(b * R * A, R * A)], sins[b]
            ).wait()

        def wait_out(b):
            pltpu.make_async_copy(
                out_v.at[pl.ds(b * R * D, R * D)], out_hbm.at[pl.ds(0, R * D)], souts[b]
            ).wait()

        def compute(j, b):
            ibase = b * R
            pbase = b * R * A
            obase = b * R * D

            @plsc.parallel_loop(0, R, unroll=4)
            def row1(r):
                idxv = idx_v[pl.ds(ibase + r, _LANES)] * (D // 2)
                tb = idxv[0]
                bcs = [
                    plsc.bitcast(
                        jnp.broadcast_to(
                            posd_v[pl.ds(pbase + a * R + r, _LANES)][0], (_LANES,)
                        ),
                        jnp.bfloat16,
                    )
                    for a in range(A)
                ]
                accs = [
                    plsc.bitcast(
                        t2_v[pl.ds(tb + c * _LANES, _LANES)], jnp.bfloat16
                    )
                    for c in range(C)
                ]
                for a in range(A):
                    accs = [accs[c] + bcs[a] * w2regs[a][c] for c in range(C)]
                ob = obase + r * D
                for c in range(C):
                    lo, hi = plsc.unpack(
                        accs[c], format=plsc.PackFormat.INTERLEAVED
                    )
                    out_v[pl.ds(ob + c * 32, _LANES)] = lo
                    out_v[pl.ds(ob + c * 32 + _LANES, _LANES)] = hi

        start_in(0, 0)
        start_in(1, 1)

        def dbl(j2, carry):
            for b in range(2):
                j = 2 * j2 + b
                wait_in(b)

                @pl.when(j2 > 0)
                def _():
                    wait_out(b)

                compute(j, b)
                row0 = base + j * R
                pltpu.async_copy(
                    out_v.at[pl.ds(b * R * D, R * D)], out_hbm.at[pl.ds(row0 * D, R * D)], souts[b]
                )

                @pl.when(j2 < NBLK // 2 - 1)
                def _():
                    start_in(j + 2, b)

            return carry

        lax.fori_loop(0, NBLK // 2, dbl, 0)
        wait_out(0)
        wait_out(1)

    return k(idx, posd, w2, t2)


def kernel(command_indices_tensor, positions_tensor, command_table, lin_w, lin_b):
    B, L = command_indices_tensor.shape
    V, D = command_table.shape
    A = positions_tensor.shape[-1]
    N = B * L
    scale = jnp.float32(D) ** 0.5

    def _pack_words(m):
        u = lax.bitcast_convert_type(
            m[:, _interleave_perm(D)].astype(jnp.bfloat16), jnp.uint16
        ).astype(jnp.uint32)
        return (u[:, 0::2] | (u[:, 1::2] << 16)).reshape(-1)

    w2 = _pack_words((lin_w * scale).T)
    t2 = _pack_words((command_table + lin_b[None, :]) * scale)
    idx = command_indices_tensor.reshape(N).astype(jnp.int32)
    pb = lax.bitcast_convert_type(
        jnp.transpose(positions_tensor.astype(jnp.bfloat16), (2, 0, 1)).reshape(
            A * N
        ),
        jnp.uint16,
    ).astype(jnp.uint32)
    posd = pb | (pb << 16)
    out = _sc_fused(idx, posd, w2, t2, N, D, A)
    return out.reshape(B, L, D)

# --- scband reference (transcript-rebuilt; emitter-appended) ---
"""Pipeline reference for scband-segment-embedding-1477468750386 (READ-ONLY COPY).

The authoritative reference and input builder live on the scoring server;
editing this copy changes nothing except your own understanding.
"""

import jax, jax.numpy as jnp
import numpy as np

EMBED_DIM = 128
NUM_COMMANDS = 6  # assumed len(POSTSCRIPT_COMMAND_TYPE_TO_NUM)
MAX_ARGS_LEN = 6  # assumed POSTSCRIPT_MAX_ARGS_LEN
B, L = 1024, 200


def setup_inputs(seed: int = 0) -> dict:
    key = jax.random.key(seed)
    k1, k2, k3, k4 = jax.random.split(key, 4)
    command_indices = jax.random.randint(k1, (B, L), 0, NUM_COMMANDS, dtype=jnp.int64 if jax.config.jax_enable_x64 else jnp.int32)
    positions = jax.random.normal(k2, (B, L, MAX_ARGS_LEN), dtype=jnp.float32)
    command_table = jax.random.normal(k3, (NUM_COMMANDS, EMBED_DIM), dtype=jnp.float32) * 0.02
    lin_w = jax.random.normal(k4, (EMBED_DIM, MAX_ARGS_LEN), dtype=jnp.float32) * (1.0 / np.sqrt(MAX_ARGS_LEN))
    lin_b = jnp.zeros((EMBED_DIM,), dtype=jnp.float32)
    return {
        "command_indices_tensor": command_indices,
        "positions_tensor": positions,
        "command_table": command_table,
        "lin_w": lin_w,
        "lin_b": lin_b,
    }


def reference(command_indices_tensor, positions_tensor, command_table, lin_w, lin_b):
    # nn.Embedding: gather rows from command table
    embedded_commands = jnp.take(command_table, command_indices_tensor, axis=0)  # [B, L, D]
    # nn.Linear(max_args_len -> embedding_dim)
    embedded_positions = positions_tensor @ lin_w.T + lin_b  # [B, L, D]
    combined = (embedded_commands + embedded_positions) * (EMBED_DIM ** 0.5)
    # dropout p=0.0 / eval mode -> identity
    return combined

if __name__ == "__main__":
    import jax
    _d = setup_inputs()
    print(jax.jit(kernel)(*tuple(_d.values())))

</pallas_src>

<mosaic_0001>
#map = affine_map<(d0, d1) -> (0)>
module attributes {stable_mosaic.version = 14 : i64} {
  func.func @k(%arg0: i32, %arg1: i32, %arg2: memref<204800xi32, #tpu.memory_space<hbm>>, %arg3: memref<1228800xi32, #tpu.memory_space<hbm>>, %arg4: memref<384xi32, #tpu.memory_space<hbm>>, %arg5: memref<384xi32, #tpu.memory_space<hbm>>, %arg6: memref<26214400xf32, #tpu.memory_space<hbm>>, %arg7: memref<640xi32, #tpu.memory_space<vmem>>, %arg8: memref<3840xi32, #tpu.memory_space<vmem>>, %arg9: memref<81920xf32, #tpu.memory_space<vmem>>, %arg10: memref<384xi32, #tpu.memory_space<vmem>>, %arg11: memref<384xi32, #tpu.memory_space<vmem>>, %arg12: memref<!tpu.dma_semaphore, #tpu.memory_space<semaphore_mem>>, %arg13: memref<!tpu.dma_semaphore, #tpu.memory_space<semaphore_mem>>, %arg14: memref<!tpu.dma_semaphore, #tpu.memory_space<semaphore_mem>>, %arg15: memref<!tpu.dma_semaphore, #tpu.memory_space<semaphore_mem>>) attributes {dimension_semantics = [#tpu.dimension_semantics<core_parallel>, #tpu.dimension_semantics<subcore_parallel>], iteration_bounds = array<i64: 2, 16>, scalar_prefetch = 0 : i64, scratch_operands = 9 : i64, tpu.core_type = #tpu.core_type<sc_vector_subcore>, window_params = [{transform_indices = #map}, {transform_indices = #map}, {transform_indices = #map}, {transform_indices = #map}, {transform_indices = #map}]} {
    %mul3A = arith.constant 2 : i32
    %mul3A_0 = arith.muli %arg1, %mul3A : i32
    %add3A = arith.addi %mul3A_0, %arg0 : i32
    %mul3A_1 = arith.constant 6400 : i32
    %mul3A_2 = arith.muli %add3A, %mul3A_1 : i32
    "tpu.region"() ({
      %run_scoped3A = tpu.sem_alloc : memref<!tpu.dma_semaphore, #tpu.memory_space<semaphore_mem>>
      tpu.enqueue_dma source(%arg5 : memref<384xi32, #tpu.memory_space<hbm>>) target(%arg10 : memref<384xi32, #tpu.memory_space<vmem>>) target_semaphore(%run_scoped3A : memref<!tpu.dma_semaphore, #tpu.memory_space<semaphore_mem>>)
      tpu.wait_dma2 semaphore(%run_scoped3A : memref<!tpu.dma_semaphore, #tpu.memory_space<semaphore_mem>>) src(%arg5 : memref<384xi32, #tpu.memory_space<hbm>>) dst(%arg10 : memref<384xi32, #tpu.memory_space<vmem>>)
      tpu.yield
    }) : () -> ()
    "tpu.region"() ({
      %run_scoped3A = tpu.sem_alloc : memref<!tpu.dma_semaphore, #tpu.memory_space<semaphore_mem>>
      tpu.enqueue_dma source(%arg4 : memref<384xi32, #tpu.memory_space<hbm>>) target(%arg11 : memref<384xi32, #tpu.memory_space<vmem>>) target_semaphore(%run_scoped3A : memref<!tpu.dma_semaphore, #tpu.memory_space<semaphore_mem>>)
      tpu.wait_dma2 semaphore(%run_scoped3A : memref<!tpu.dma_semaphore, #tpu.memory_space<semaphore_mem>>) src(%arg4 : memref<384xi32, #tpu.memory_space<hbm>>) dst(%arg11 : memref<384xi32, #tpu.memory_space<vmem>>)
      tpu.yield
    }) : () -> ()
    %get3A = arith.constant 0 : index
    %get3A_3 = tpu.vector_load %arg11[%get3A] {strides = array<i32>} : memref<384xi32, #tpu.memory_space<vmem>>, vector<16xi32>,
    %bitcast3A = vector.bitcast %get3A_3 : vector<16xi32> to vector<32xbf16>
    %get3A_4 = arith.constant 16 : index
    %get3A_5 = tpu.vector_load %arg11[%get3A_4] {strides = array<i32>} : memref<384xi32, #tpu.memory_space<vmem>>, vector<16xi32>,
    %bitcast3A_6 = vector.bitcast %get3A_5 : vector<16xi32> to vector<32xbf16>
    %get3A_7 = arith.constant 32 : index
    %get3A_8 = tpu.vector_load %arg11[%get3A_7] {strides = array<i32>} : memref<384xi32, #tpu.memory_space<vmem>>, vector<16xi32>,
    %bitcast3A_9 = vector.bitcast %get3A_8 : vector<16xi32> to vector<32xbf16>
    %get3A_10 = arith.constant 48 : index
    %get3A_11 = tpu.vector_load %arg11[%get3A_10] {strides = array<i32>} : memref<384xi32, #tpu.memory_space<vmem>>, vector<16xi32>,
    %bitcast3A_12 = vector.bitcast %get3A_11 : vector<16xi32> to vector<32xbf16>
    %get3A_13 = arith.constant 64 : index
    %get3A_14 = tpu.vector_load %arg11[%get3A_13] {strides = array<i32>} : memref<384xi32, #tpu.memory_space<vmem>>, vector<16xi32>,
    %bitcast3A_15 = vector.bitcast %get3A_14 : vector<16xi32> to vector<32xbf16>
    %get3A_16 = arith.constant 80 : index
    %get3A_17 = tpu.vector_load %arg11[%get3A_16] {strides = array<i32>} : memref<384xi32, #tpu.memory_space<vmem>>, vector<16xi32>,
    %bitcast3A_18 = vector.bitcast %get3A_17 : vector<16xi32> to vector<32xbf16>
    %get3A_19 = arith.constant 96 : index
    %get3A_20 = tpu.vector_load %arg11[%get3A_19] {strides = array<i32>} : memref<384xi32, #tpu.memory_space<vmem>>, vector<16xi32>,
    %bitcast3A_21 = vector.bitcast %get3A_20 : vector<16xi32> to vector<32xbf16>
    %get3A_22 = arith.constant 112 : index
    %get3A_23 = tpu.vector_load %arg11[%get3A_22] {strides = array<i32>} : memref<384xi32, #tpu.memory_space<vmem>>, vector<16xi32>,
    %bitcast3A_24 = vector.bitcast %get3A_23 : vector<16xi32> to vector<32xbf16>
    %get3A_25 = arith.constant 128 : index
    %get3A_26 = tpu.vector_load %arg11[%get3A_25] {strides = array<i32>} : memref<384xi32, #tpu.memory_space<vmem>>, vector<16xi32>,
    %bitcast3A_27 = vector.bitcast %get3A_26 : vector<16xi32> to vector<32xbf16>
    %get3A_28 = arith.constant 144 : index
    %get3A_29 = tpu.vector_load %arg11[%get3A_28] {strides = array<i32>} : memref<384xi32, #tpu.memory_space<vmem>>, vector<16xi32>,
    %bitcast3A_30 = vector.bitcast %get3A_29 : vector<16xi32> to vector<32xbf16>
    %get3A_31 = arith.constant 160 : index
    %get3A_32 = tpu.vector_load %arg11[%get3A_31] {strides = array<i32>} : memref<384xi32, #tpu.memory_space<vmem>>, vector<16xi32>,
    %bitcast3A_33 = vector.bitcast %get3A_32 : vector<16xi32> to vector<32xbf16>
    %get3A_34 = arith.constant 176 : index
    %get3A_35 = tpu.vector_load %arg11[%get3A_34] {strides = array<i32>} : memref<384xi32, #tpu.memory_space<vmem>>, vector<16xi32>,
    %bitcast3A_36 = vector.bitcast %get3A_35 : vector<16xi32> to vector<32xbf16>
    %get3A_37 = arith.constant 192 : index
    %get3A_38 = tpu.vector_load %arg11[%get3A_37] {strides = array<i32>} : memref<384xi32, #tpu.memory_space<vmem>>, vector<16xi32>,
    %bitcast3A_39 = vector.bitcast %get3A_38 : vector<16xi32> to vector<32xbf16>
    %get3A_40 = arith.constant 208 : index
    %get3A_41 = tpu.vector_load %arg11[%get3A_40] {strides = array<i32>} : memref<384xi32, #tpu.memory_space<vmem>>, vector<16xi32>,
    %bitcast3A_42 = vector.bitcast %get3A_41 : vector<16xi32> to vector<32xbf16>
    %get3A_43 = arith.constant 224 : index
    %get3A_44 = tpu.vector_load %arg11[%get3A_43] {strides = array<i32>} : memref<384xi32, #tpu.memory_space<vmem>>, vector<16xi32>,
    %bitcast3A_45 = vector.bitcast %get3A_44 : vector<16xi32> to vector<32xbf16>
    %get3A_46 = arith.constant 240 : index
    %get3A_47 = tpu.vector_load %arg11[%get3A_46] {strides = array<i32>} : memref<384xi32, #tpu.memory_space<vmem>>, vector<16xi32>,
    %bitcast3A_48 = vector.bitcast %get3A_47 : vector<16xi32> to vector<32xbf16>
    %get3A_49 = arith.constant 256 : index
    %get3A_50 = tpu.vector_load %arg11[%get3A_49] {strides = array<i32>} : memref<384xi32, #tpu.memory_space<vmem>>, vector<16xi32>,
    %bitcast3A_51 = vector.bitcast %get3A_50 : vector<16xi32> to vector<32xbf16>
    %get3A_52 = arith.constant 272 : index
    %get3A_53 = tpu.vector_load %arg11[%get3A_52] {strides = array<i32>} : memref<384xi32, #tpu.memory_space<vmem>>, vector<16xi32>,
    %bitcast3A_54 = vector.bitcast %get3A_53 : vector<16xi32> to vector<32xbf16>
    %get3A_55 = arith.constant 288 : index
    %get3A_56 = tpu.vector_load %arg11[%get3A_55] {strides = array<i32>} : memref<384xi32, #tpu.memory_space<vmem>>, vector<16xi32>,
    %bitcast3A_57 = vector.bitcast %get3A_56 : vector<16xi32> to vector<32xbf16>
    %get3A_58 = arith.constant 304 : index
    %get3A_59 = tpu.vector_load %arg11[%get3A_58] {strides = array<i32>} : memref<384xi32, #tpu.memory_space<vmem>>, vector<16xi32>,
    %bitcast3A_60 = vector.bitcast %get3A_59 : vector<16xi32> to vector<32xbf16>
    %get3A_61 = arith.constant 320 : index
    %get3A_62 = tpu.vector_load %arg11[%get3A_61] {strides = array<i32>} : memref<384xi32, #tpu.memory_space<vmem>>, vector<16xi32>,
    %bitcast3A_63 = vector.bitcast %get3A_62 : vector<16xi32> to vector<32xbf16>
    %get3A_64 = arith.constant 336 : index
    %get3A_65 = tpu.vector_load %arg11[%get3A_64] {strides = array<i32>} : memref<384xi32, #tpu.memory_space<vmem>>, vector<16xi32>,
    %bitcast3A_66 = vector.bitcast %get3A_65 : vector<16xi32> to vector<32xbf16>
    %get3A_67 = arith.constant 352 : index
    %get3A_68 = tpu.vector_load %arg11[%get3A_67] {strides = array<i32>} : memref<384xi32, #tpu.memory_space<vmem>>, vector<16xi32>,
    %bitcast3A_69 = vector.bitcast %get3A_68 : vector<16xi32> to vector<32xbf16>
    %get3A_70 = arith.constant 368 : index
    %get3A_71 = tpu.vector_load %arg11[%get3A_70] {strides = array<i32>} : memref<384xi32, #tpu.memory_space<vmem>>, vector<16xi32>,
    %bitcast3A_72 = vector.bitcast %get3A_71 : vector<16xi32> to vector<32xbf16>
    %add3A_73 = arith.constant 0 : i32
    %add3A_74 = arith.addi %mul3A_2, %add3A_73 : i32
    %dma_start3A = arith.constant 0 : i32
    %dma_start3A_75 = tpu.memref_slice %arg7[%dma_start3A] : memref<640xi32, #tpu.memory_space<vmem>> -> memref<320xi32, #tpu.memory_space<vmem>>
    %dma_start3A_76 = tpu.memref_slice %arg2[%add3A_74] : memref<204800xi32, #tpu.memory_space<hbm>> -> memref<320xi32, #tpu.memory_space<hbm>>
    %dma_start3A_77 = arith.constant 0 : i32
    %dma_start3A_78 = tpu.memref_slice %arg7[%dma_start3A_77] : memref<640xi32, #tpu.memory_space<vmem>> -> memref<320xi32, #tpu.memory_space<vmem>>
    %dma_start3A_79 = tpu.memref_slice %arg2[%add3A_74] : memref<204800xi32, #tpu.memory_space<hbm>> -> memref<320xi32, #tpu.memory_space<hbm>>
    tpu.enqueue_dma source(%dma_start3A_79 : memref<320xi32, #tpu.memory_space<hbm>>) target(%dma_start3A_78 : memref<320xi32, #tpu.memory_space<vmem>>) target_semaphore(%arg12 : memref<!tpu.dma_semaphore, #tpu.memory_space<semaphore_mem>>)
    %add3A_80 = arith.constant 0 : i32
    %add3A_81 = arith.addi %add3A_80, %add3A_74 : i32
    %dma_start3A_82 = arith.constant 0 : i32
    %dma_start3A_83 = tpu.memref_slice %arg8[%dma_start3A_82] : memref<3840xi32, #tpu.memory_space<vmem>> -> memref<320xi32, #tpu.memory_space<vmem>>
    %dma_start3A_84 = tpu.memref_slice %arg3[%add3A_81] : memref<1228800xi32, #tpu.memory_space<hbm>> -> memref<320xi32, #tpu.memory_space<hbm>>
    %dma_start3A_85 = arith.constant 0 : i32
    %dma_start3A_86 = tpu.memref_slice %arg8[%dma_start3A_85] : memref<3840xi32, #tpu.memory_space<vmem>> -> memref<320xi32, #tpu.memory_space<vmem>>
    %dma_start3A_87 = tpu.memref_slice %arg3[%add3A_81] : memref<1228800xi32, #tpu.memory_space<hbm>> -> memref<320xi32, #tpu.memory_space<hbm>>
    tpu.enqueue_dma source(%dma_start3A_87 : memref<320xi32, #tpu.memory_space<hbm>>) target(%dma_start3A_86 : memref<320xi32, #tpu.memory_space<vmem>>) target_semaphore(%arg12 : memref<!tpu.dma_semaphore, #tpu.memory_space<semaphore_mem>>)
    %add3A_88 = arith.constant 204800 : i32
    %add3A_89 = arith.addi %add3A_88, %add3A_74 : i32
    %dma_start3A_90 = arith.constant 320 : i32
    %dma_start3A_91 = tpu.memref_slice %arg8[%dma_start3A_90] : memref<3840xi32, #tpu.memory_space<vmem>> -> memref<320xi32, #tpu.memory_space<vmem>>
    %dma_start3A_92 = tpu.memref_slice %arg3[%add3A_89] : memref<1228800xi32, #tpu.memory_space<hbm>> -> memref<320xi32, #tpu.memory_space<hbm>>
    %dma_start3A_93 = arith.constant 320 : i32
    %dma_start3A_94 = tpu.memref_slice %arg8[%dma_start3A_93] : memref<3840xi32, #tpu.memory_space<vmem>> -> memref<320xi32, #tpu.memory_space<vmem>>
    %dma_start3A_95 = tpu.memref_slice %arg3[%add3A_89] : memref<1228800xi32, #tpu.memory_space<hbm>> -> memref<320xi32, #tpu.memory_space<hbm>>
    tpu.enqueue_dma source(%dma_start3A_95 : memref<320xi32, #tpu.memory_space<hbm>>) target(%dma_start3A_94 : memref<320xi32, #tpu.memory_space<vmem>>) target_semaphore(%arg12 : memref<!tpu.dma_semaphore, #tpu.memory_space<semaphore_mem>>)
    %add3A_96 = arith.constant 409600 : i32
    %add3A_97 = arith.addi %add3A_96, %add3A_74 : i32
    %dma_start3A_98 = arith.constant 640 : i32
    %dma_start3A_99 = tpu.memref_slice %arg8[%dma_start3A_98] : memref<3840xi32, #tpu.memory_space<vmem>> -> memref<320xi32, #tpu.memory_space<vmem>>
    %dma_start3A_100 = tpu.memref_slice %arg3[%add3A_97] : memref<1228800xi32, #tpu.memory_space<hbm>> -> memref<320xi32, #tpu.memory_space<hbm>>
    %dma_start3A_101 = arith.constant 640 : i32
    %dma_start3A_102 = tpu.memref_slice %arg8[%dma_start3A_101] : memref<3840xi32, #tpu.memory_space<vmem>> -> memref<320xi32, #tpu.memory_space<vmem>>
    %dma_start3A_103 = tpu.memref_slice %arg3[%add3A_97] : memref<1228800xi32, #tpu.memory_space<hbm>> -> memref<320xi32, #tpu.memory_space<hbm>>
    tpu.enqueue_dma source(%dma_start3A_103 : memref<320xi32, #tpu.memory_space<hbm>>) target(%dma_start3A_102 : memref<320xi32, #tpu.memory_space<vmem>>) target_semaphore(%arg12 : memref<!tpu.dma_semaphore, #tpu.memory_space<semaphore_mem>>)
    %add3A_104 = arith.constant 614400 : i32
    %add3A_105 = arith.addi %add3A_104, %add3A_74 : i32
    %dma_start3A_106 = arith.constant 960 : i32
    %dma_start3A_107 = tpu.memref_slice %arg8[%dma_start3A_106] : memref<3840xi32, #tpu.memory_space<vmem>> -> memref<320xi32, #tpu.memory_space<vmem>>
    %dma_start3A_108 = tpu.memref_slice %arg3[%add3A_105] : memref<1228800xi32, #tpu.memory_space<hbm>> -> memref<320xi32, #tpu.memory_space<hbm>>
    %dma_start3A_109 = arith.constant 960 : i32
    %dma_start3A_110 = tpu.memref_slice %arg8[%dma_start3A_109] : memref<3840xi32, #tpu.memory_space<vmem>> -> memref<320xi32, #tpu.memory_space<vmem>>
    %dma_start3A_111 = tpu.memref_slice %arg3[%add3A_105] : memref<1228800xi32, #tpu.memory_space<hbm>> -> memref<320xi32, #tpu.memory_space<hbm>>
    tpu.enqueue_dma source(%dma_start3A_111 : memref<320xi32, #tpu.memory_space<hbm>>) target(%dma_start3A_110 : memref<320xi32, #tpu.memory_space<vmem>>) target_semaphore(%arg12 : memref<!tpu.dma_semaphore, #tpu.memory_space<semaphore_mem>>)
    %add3A_112 = arith.constant 819200 : i32
    %add3A_113 = arith.addi %add3A_112, %add3A_74 : i32
    %dma_start3A_114 = arith.constant 1280 : i32
    %dma_start3A_115 = tpu.memref_slice %arg8[%dma_start3A_114] : memref<3840xi32, #tpu.memory_space<vmem>> -> memref<320xi32, #tpu.memory_space<vmem>>
    %dma_start3A_116 = tpu.memref_slice %arg3[%add3A_113] : memref<1228800xi32, #tpu.memory_space<hbm>> -> memref<320xi32, #tpu.memory_space<hbm>>
    %dma_start3A_117 = arith.constant 1280 : i32
    %dma_start3A_118 = tpu.memref_slice %arg8[%dma_start3A_117] : memref<3840xi32, #tpu.memory_space<vmem>> -> memref<320xi32, #tpu.memory_space<vmem>>
    %dma_start3A_119 = tpu.memref_slice %arg3[%add3A_113] : memref<1228800xi32, #tpu.memory_space<hbm>> -> memref<320xi32, #tpu.memory_space<hbm>>
    tpu.enqueue_dma source(%dma_start3A_119 : memref<320xi32, #tpu.memory_space<hbm>>) target(%dma_start3A_118 : memref<320xi32, #tpu.memory_space<vmem>>) target_semaphore(%arg12 : memref<!tpu.dma_semaphore, #tpu.memory_space<semaphore_mem>>)
    %add3A_120 = arith.constant 1024000 : i32
    %add3A_121 = arith.addi %add3A_120, %add3A_74 : i32
    %dma_start3A_122 = arith.constant 1600 : i32
    %dma_start3A_123 = tpu.memref_slice %arg8[%dma_start3A_122] : memref<3840xi32, #tpu.memory_space<vmem>> -> memref<320xi32, #tpu.memory_space<vmem>>
    %dma_start3A_124 = tpu.memref_slice %arg3[%add3A_121] : memref<1228800xi32, #tpu.memory_space<hbm>> -> memref<320xi32, #tpu.memory_space<hbm>>
    %dma_start3A_125 = arith.constant 1600 : i32
    %dma_start3A_126 = tpu.memref_slice %arg8[%dma_start3A_125] : memref<3840xi32, #tpu.memory_space<vmem>> -> memref<320xi32, #tpu.memory_space<vmem>>
    %dma_start3A_127 = tpu.memref_slice %arg3[%add3A_121] : memref<1228800xi32, #tpu.memory_space<hbm>> -> memref<320xi32, #tpu.memory_space<hbm>>
    tpu.enqueue_dma source(%dma_start3A_127 : memref<320xi32, #tpu.memory_space<hbm>>) target(%dma_start3A_126 : memref<320xi32, #tpu.memory_space<vmem>>) target_semaphore(%arg12 : memref<!tpu.dma_semaphore, #tpu.memory_space<semaphore_mem>>)
    %add3A_128 = arith.constant 320 : i32
    %add3A_129 = arith.addi %mul3A_2, %add3A_128 : i32
    %dma_start3A_130 = arith.constant 320 : i32
    %dma_start3A_131 = tpu.memref_slice %arg7[%dma_start3A_130] : memref<640xi32, #tpu.memory_space<vmem>> -> memref<320xi32, #tpu.memory_space<vmem>>
    %dma_start3A_132 = tpu.memref_slice %arg2[%add3A_129] : memref<204800xi32, #tpu.memory_space<hbm>> -> memref<320xi32, #tpu.memory_space<hbm>>
    %dma_start3A_133 = arith.constant 320 : i32
    %dma_start3A_134 = tpu.memref_slice %arg7[%dma_start3A_133] : memref<640xi32, #tpu.memory_space<vmem>> -> memref<320xi32, #tpu.memory_space<vmem>>
    %dma_start3A_135 = tpu.memref_slice %arg2[%add3A_129] : memref<204800xi32, #tpu.memory_space<hbm>> -> memref<320xi32, #tpu.memory_space<hbm>>
    tpu.enqueue_dma source(%dma_start3A_135 : memref<320xi32, #tpu.memory_space<hbm>>) target(%dma_start3A_134 : memref<320xi32, #tpu.memory_space<vmem>>) target_semaphore(%arg13 : memref<!tpu.dma_semaphore, #tpu.memory_space<semaphore_mem>>)
    %add3A_136 = arith.constant 0 : i32
    %add3A_137 = arith.addi %add3A_136, %add3A_129 : i32
    %dma_start3A_138 = arith.constant 1920 : i32
    %dma_start3A_139 = tpu.memref_slice %arg8[%dma_start3A_138] : memref<3840xi32, #tpu.memory_space<vmem>> -> memref<320xi32, #tpu.memory_space<vmem>>
    %dma_start3A_140 = tpu.memref_slice %arg3[%add3A_137] : memref<1228800xi32, #tpu.memory_space<hbm>> -> memref<320xi32, #tpu.memory_space<hbm>>
    %dma_start3A_141 = arith.constant 1920 : i32
    %dma_start3A_142 = tpu.memref_slice %arg8[%dma_start3A_141] : memref<3840xi32, #tpu.memory_space<vmem>> -> memref<320xi32, #tpu.memory_space<vmem>>
    %dma_start3A_143 = tpu.memref_slice %arg3[%add3A_137] : memref<1228800xi32, #tpu.memory_space<hbm>> -> memref<320xi32, #tpu.memory_space<hbm>>
    tpu.enqueue_dma source(%dma_start3A_143 : memref<320xi32, #tpu.memory_space<hbm>>) target(%dma_start3A_142 : memref<320xi32, #tpu.memory_space<vmem>>) target_semaphore(%arg13 : memref<!tpu.dma_semaphore, #tpu.memory_space<semaphore_mem>>)
    %add3A_144 = arith.constant 204800 : i32
    %add3A_145 = arith.addi %add3A_144, %add3A_129 : i32
    %dma_start3A_146 = arith.constant 2240 : i32
    %dma_start3A_147 = tpu.memref_slice %arg8[%dma_start3A_146] : memref<3840xi32, #tpu.memory_space<vmem>> -> memref<320xi32, #tpu.memory_space<vmem>>
    %dma_start3A_148 = tpu.memref_slice %arg3[%add3A_145] : memref<1228800xi32, #tpu.memory_space<hbm>> -> memref<320xi32, #tpu.memory_space<hbm>>
    %dma_start3A_149 = arith.constant 2240 : i32
    %dma_start3A_150 = tpu.memref_slice %arg8[%dma_start3A_149] : memref<3840xi32, #tpu.memory_space<vmem>> -> memref<320xi32, #tpu.memory_space<vmem>>
    %dma_start3A_151 = tpu.memref_slice %arg3[%add3A_145] : memref<1228800xi32, #tpu.memory_space<hbm>> -> memref<320xi32, #tpu.memory_space<hbm>>
    tpu.enqueue_dma source(%dma_start3A_151 : memref<320xi32, #tpu.memory_space<hbm>>) target(%dma_start3A_150 : memref<320xi32, #tpu.memory_space<vmem>>) target_semaphore(%arg13 : memref<!tpu.dma_semaphore, #tpu.memory_space<semaphore_mem>>)
    %add3A_152 = arith.constant 409600 : i32
    %add3A_153 = arith.addi %add3A_152, %add3A_129 : i32
    %dma_start3A_154 = arith.constant 2560 : i32
    %dma_start3A_155 = tpu.memref_slice %arg8[%dma_start3A_154] : memref<3840xi32, #tpu.memory_space<vmem>> -> memref<320xi32, #tpu.memory_space<vmem>>
    %dma_start3A_156 = tpu.memref_slice %arg3[%add3A_153] : memref<1228800xi32, #tpu.memory_space<hbm>> -> memref<320xi32, #tpu.memory_space<hbm>>
    %dma_start3A_157 = arith.constant 2560 : i32
    %dma_start3A_158 = tpu.memref_slice %arg8[%dma_start3A_157] : memref<3840xi32, #tpu.memory_space<vmem>> -> memref<320xi32, #tpu.memory_space<vmem>>
    %dma_start3A_159 = tpu.memref_slice %arg3[%add3A_153] : memref<1228800xi32, #tpu.memory_space<hbm>> -> memref<320xi32, #tpu.memory_space<hbm>>
    tpu.enqueue_dma source(%dma_start3A_159 : memref<320xi32, #tpu.memory_space<hbm>>) target(%dma_start3A_158 : memref<320xi32, #tpu.memory_space<vmem>>) target_semaphore(%arg13 : memref<!tpu.dma_semaphore, #tpu.memory_space<semaphore_mem>>)
    %add3A_160 = arith.constant 614400 : i32
    %add3A_161 = arith.addi %add3A_160, %add3A_129 : i32
    %dma_start3A_162 = arith.constant 2880 : i32
    %dma_start3A_163 = tpu.memref_slice %arg8[%dma_start3A_162] : memref<3840xi32, #tpu.memory_space<vmem>> -> memref<320xi32, #tpu.memory_space<vmem>>
    %dma_start3A_164 = tpu.memref_slice %arg3[%add3A_161] : memref<1228800xi32, #tpu.memory_space<hbm>> -> memref<320xi32, #tpu.memory_space<hbm>>
    %dma_start3A_165 = arith.constant 2880 : i32
    %dma_start3A_166 = tpu.memref_slice %arg8[%dma_start3A_165] : memref<3840xi32, #tpu.memory_space<vmem>> -> memref<320xi32, #tpu.memory_space<vmem>>
    %dma_start3A_167 = tpu.memref_slice %arg3[%add3A_161] : memref<1228800xi32, #tpu.memory_space<hbm>> -> memref<320xi32, #tpu.memory_space<hbm>>
    tpu.enqueue_dma source(%dma_start3A_167 : memref<320xi32, #tpu.memory_space<hbm>>) target(%dma_start3A_166 : memref<320xi32, #tpu.memory_space<vmem>>) target_semaphore(%arg13 : memref<!tpu.dma_semaphore, #tpu.memory_space<semaphore_mem>>)
    %add3A_168 = arith.constant 819200 : i32
    %add3A_169 = arith.addi %add3A_168, %add3A_129 : i32
    %dma_start3A_170 = arith.constant 3200 : i32
    %dma_start3A_171 = tpu.memref_slice %arg8[%dma_start3A_170] : memref<3840xi32, #tpu.memory_space<vmem>> -> memref<320xi32, #tpu.memory_space<vmem>>
    %dma_start3A_172 = tpu.memref_slice %arg3[%add3A_169] : memref<1228800xi32, #tpu.memory_space<hbm>> -> memref<320xi32, #tpu.memory_space<hbm>>
    %dma_start3A_173 = arith.constant 3200 : i32
    %dma_start3A_174 = tpu.memref_slice %arg8[%dma_start3A_173] : memref<3840xi32, #tpu.memory_space<vmem>> -> memref<320xi32, #tpu.memory_space<vmem>>
    %dma_start3A_175 = tpu.memref_slice %arg3[%add3A_169] : memref<1228800xi32, #tpu.memory_space<hbm>> -> memref<320xi32, #tpu.memory_space<hbm>>
    tpu.enqueue_dma source(%dma_start3A_175 : memref<320xi32, #tpu.memory_space<hbm>>) target(%dma_start3A_174 : memref<320xi32, #tpu.memory_space<vmem>>) target_semaphore(%arg13 : memref<!tpu.dma_semaphore, #tpu.memory_space<semaphore_mem>>)
    %add3A_176 = arith.constant 1024000 : i32
    %add3A_177 = arith.addi %add3A_176, %add3A_129 : i32
    %dma_start3A_178 = arith.constant 3520 : i32
    %dma_start3A_179 = tpu.memref_slice %arg8[%dma_start3A_178] : memref<3840xi32, #tpu.memory_space<vmem>> -> memref<320xi32, #tpu.memory_space<vmem>>
    %dma_start3A_180 = tpu.memref_slice %arg3[%add3A_177] : memref<1228800xi32, #tpu.memory_space<hbm>> -> memref<320xi32, #tpu.memory_space<hbm>>
    %dma_start3A_181 = arith.constant 3520 : i32
    %dma_start3A_182 = tpu.memref_slice %arg8[%dma_start3A_181] : memref<3840xi32, #tpu.memory_space<vmem>> -> memref<320xi32, #tpu.memory_space<vmem>>
    %dma_start3A_183 = tpu.memref_slice %arg3[%add3A_177] : memref<1228800xi32, #tpu.memory_space<hbm>> -> memref<320xi32, #tpu.memory_space<hbm>>
    tpu.enqueue_dma source(%dma_start3A_183 : memref<320xi32, #tpu.memory_space<hbm>>) target(%dma_start3A_182 : memref<320xi32, #tpu.memory_space<vmem>>) target_semaphore(%arg13 : memref<!tpu.dma_semaphore, #tpu.memory_space<semaphore_mem>>)
    %scan3A = arith.constant 0 : i32
    %scan3A_184 = arith.constant 0 : i32
    %scan3A_185 = arith.constant 10 : i32
    %scan3A_186 = arith.addi %scan3A_184, %scan3A_185 : i32
    %scan3A_187 = arith.constant 1 : i32
    scf.for %scan3A_204 = %scan3A_184 to %scan3A_186 step %scan3A_187  : i32 {
      %mul3A_205 = arith.constant 2 : i32
      %mul3A_206 = arith.muli %mul3A_205, %scan3A_204 : i32
      %add3A_207 = arith.constant 0 : i32
      %add3A_208 = arith.addi %mul3A_206, %add3A_207 : i32
      %dma_wait3A_209 = arith.constant 0 : i32
      %dma_wait3A_210 = tpu.memref_slice %arg7[%dma_wait3A_209] : memref<640xi32, #tpu.memory_space<vmem>> -> memref<320xi32, #tpu.memory_space<vmem>>
      %dma_wait3A_211 = arith.constant 0 : i32
      %dma_wait3A_212 = tpu.memref_slice %arg2[%dma_wait3A_211] : memref<204800xi32, #tpu.memory_space<hbm>> -> memref<320xi32, #tpu.memory_space<hbm>>
      %dma_wait3A_213 = arith.constant 0 : i32
      %dma_wait3A_214 = tpu.memref_slice %arg7[%dma_wait3A_213] : memref<640xi32, #tpu.memory_space<vmem>> -> memref<320xi32, #tpu.memory_space<vmem>>
      %dma_wait3A_215 = arith.constant 0 : i32
      %dma_wait3A_216 = tpu.memref_slice %arg2[%dma_wait3A_215] : memref<204800xi32, #tpu.memory_space<hbm>> -> memref<320xi32, #tpu.memory_space<hbm>>
      tpu.wait_dma2 semaphore(%arg12 : memref<!tpu.dma_semaphore, #tpu.memory_space<semaphore_mem>>) src(%dma_wait3A_216 : memref<320xi32, #tpu.memory_space<hbm>>) dst(%dma_wait3A_214 : memref<320xi32, #tpu.memory_space<vmem>>)
      %dma_wait3A_217 = arith.constant 0 : i32
      %dma_wait3A_218 = tpu.memref_slice %arg8[%dma_wait3A_217] : memref<3840xi32, #tpu.memory_space<vmem>> -> memref<1920xi32, #tpu.memory_space<vmem>>
      %dma_wait3A_219 = arith.constant 0 : i32
      %dma_wait3A_220 = tpu.memref_slice %arg3[%dma_wait3A_219] : memref<1228800xi32, #tpu.memory_space<hbm>> -> memref<1920xi32, #tpu.memory_space<hbm>>
      %dma_wait3A_221 = arith.constant 0 : i32
      %dma_wait3A_222 = tpu.memref_slice %arg8[%dma_wait3A_221] : memref<3840xi32, #tpu.memory_space<vmem>> -> memref<1920xi32, #tpu.memory_space<vmem>>
      %dma_wait3A_223 = arith.constant 0 : i32
      %dma_wait3A_224 = tpu.memref_slice %arg3[%dma_wait3A_223] : memref<1228800xi32, #tpu.memory_space<hbm>> -> memref<1920xi32, #tpu.memory_space<hbm>>
      tpu.wait_dma2 semaphore(%arg12 : memref<!tpu.dma_semaphore, #tpu.memory_space<semaphore_mem>>) src(%dma_wait3A_224 : memref<1920xi32, #tpu.memory_space<hbm>>) dst(%dma_wait3A_222 : memref<1920xi32, #tpu.memory_space<vmem>>)
      %gt3A = arith.constant 0 : i32
      %gt3A_225 = arith.cmpi sgt, %scan3A_204, %gt3A : i32
      %convert_element_type3A = arith.extui %gt3A_225 : i1 to i32
      %cond3A = arith.constant 0 : i32
      %cond3A_226 = arith.cmpi ne, %convert_element_type3A, %cond3A : i32
      scf.if %cond3A_226 {
        %dma_wait3A_288 = arith.constant 0 : i32
        %dma_wait3A_289 = tpu.memref_slice %arg9[%dma_wait3A_288] : memref<81920xf32, #tpu.memory_space<vmem>> -> memref<40960xf32, #tpu.memory_space<vmem>>
        %dma_wait3A_290 = arith.constant 0 : i32
        %dma_wait3A_291 = tpu.memref_slice %arg6[%dma_wait3A_290] : memref<26214400xf32, #tpu.memory_space<hbm>> -> memref<40960xf32, #tpu.memory_space<hbm>>
        %dma_wait3A_292 = arith.constant 0 : i32
        %dma_wait3A_293 = tpu.memref_slice %arg6[%dma_wait3A_292] : memref<26214400xf32, #tpu.memory_space<hbm>> -> memref<40960xf32, #tpu.memory_space<hbm>>
        %dma_wait3A_294 = arith.constant 0 : i32
        %dma_wait3A_295 = tpu.memref_slice %arg9[%dma_wait3A_294] : memref<81920xf32, #tpu.memory_space<vmem>> -> memref<40960xf32, #tpu.memory_space<vmem>>
        tpu.wait_dma2 semaphore(%arg14 : memref<!tpu.dma_semaphore, #tpu.memory_space<semaphore_mem>>) src(%dma_wait3A_295 : memref<40960xf32, #tpu.memory_space<vmem>>) dst(%dma_wait3A_293 : memref<40960xf32, #tpu.memory_space<hbm>>)
      } else {
      }
      %parallel_loop3A = arith.constant 0 : i32
      %parallel_loop3A_227 = arith.constant 320 : i32
      %parallel_loop3A_228 = arith.constant 1 : i32
      scf.for %parallel_loop3A_288 = %parallel_loop3A to %parallel_loop3A_227 step %parallel_loop3A_228  : i32 {
        %parallel_loop3A_289 = arith.constant 0 : i32
        %parallel_loop3A_290 = arith.addi %parallel_loop3A_289, %parallel_loop3A_288 : i32
        %parallel_loop3A_291 = arith.index_cast %parallel_loop3A_290 : i32 to index
        %parallel_loop3A_292 = tpu.vector_load %arg7[%parallel_loop3A_291] {strides = array<i32>} : memref<640xi32, #tpu.memory_space<vmem>>, vector<16xi32>,
        %parallel_loop3A_293 = arith.constant 64 : i32
        %parallel_loop3A_294 = vector.broadcast %parallel_loop3A_293 : i32 to vector<16xi32>
        %parallel_loop3A_295 = arith.muli %parallel_loop3A_292, %parallel_loop3A_294 : vector<16xi32>
        %parallel_loop3A_296 = vector.extract_strided_slice %parallel_loop3A_295 {offsets = [0], sizes = [1], strides = [1]} : vector<16xi32> to vector<1xi32>
        %parallel_loop3A_297 = vector.extract %parallel_loop3A_296[0] : i32 from vector<1xi32>
        %parallel_loop3A_298 = arith.constant 0 : i32
        %parallel_loop3A_299 = arith.addi %parallel_loop3A_298, %parallel_loop3A_288 : i32
        %parallel_loop3A_300 = arith.index_cast %parallel_loop3A_299 : i32 to index
        %parallel_loop3A_301 = tpu.vector_load %arg8[%parallel_loop3A_300] {strides = array<i32>} : memref<3840xi32, #tpu.memory_space<vmem>>, vector<16xi32>,
        %parallel_loop3A_302 = vector.extract_strided_slice %parallel_loop3A_301 {offsets = [0], sizes = [1], strides = [1]} : vector<16xi32> to vector<1xi32>
        %parallel_loop3A_303 = vector.extract %parallel_loop3A_302[0] : i32 from vector<1xi32>
        %parallel_loop3A_304 = vector.broadcast %parallel_loop3A_303 : i32 to vector<16xi32>
        %parallel_loop3A_305 = vector.bitcast %parallel_loop3A_304 : vector<16xi32> to vector<32xbf16>
        %parallel_loop3A_306 = arith.constant 320 : i32
        %parallel_loop3A_307 = arith.addi %parallel_loop3A_306, %parallel_loop3A_288 : i32
        %parallel_loop3A_308 = arith.index_cast %parallel_loop3A_307 : i32 to index
        %parallel_loop3A_309 = tpu.vector_load %arg8[%parallel_loop3A_308] {strides = array<i32>} : memref<3840xi32, #tpu.memory_space<vmem>>, vector<16xi32>,
        %parallel_loop3A_310 = vector.extract_strided_slice %parallel_loop3A_309 {offsets = [0], sizes = [1], strides = [1]} : vector<16xi32> to vector<1xi32>
        %parallel_loop3A_311 = vector.extract %parallel_loop3A_310[0] : i32 from vector<1xi32>
        %parallel_loop3A_312 = vector.broadcast %parallel_loop3A_311 : i32 to vector<16xi32>
        %parallel_loop3A_313 = vector.bitcast %parallel_loop3A_312 : vector<16xi32> to vector<32xbf16>
        %parallel_loop3A_314 = arith.constant 640 : i32
        %parallel_loop3A_315 = arith.addi %parallel_loop3A_314, %parallel_loop3A_288 : i32
        %parallel_loop3A_316 = arith.index_cast %parallel_loop3A_315 : i32 to index
        %parallel_loop3A_317 = tpu.vector_load %arg8[%parallel_loop3A_316] {strides = array<i32>} : memref<3840xi32, #tpu.memory_space<vmem>>, vector<16xi32>,
        %parallel_loop3A_318 = vector.extract_strided_slice %parallel_loop3A_317 {offsets = [0], sizes = [1], strides = [1]} : vector<16xi32> to vector<1xi32>
        %parallel_loop3A_319 = vector.extract %parallel_loop3A_318[0] : i32 from vector<1xi32>
        %parallel_loop3A_320 = vector.broadcast %parallel_loop3A_319 : i32 to vector<16xi32>
        %parallel_loop3A_321 = vector.bitcast %parallel_loop3A_320 : vector<16xi32> to vector<32xbf16>
        %parallel_loop3A_322 = arith.constant 960 : i32
        %parallel_loop3A_323 = arith.addi %parallel_loop3A_322, %parallel_loop3A_288 : i32
        %parallel_loop3A_324 = arith.index_cast %parallel_loop3A_323 : i32 to index
        %parallel_loop3A_325 = tpu.vector_load %arg8[%parallel_loop3A_324] {strides = array<i32>} : memref<3840xi32, #tpu.memory_space<vmem>>, vector<16xi32>,
        %parallel_loop3A_326 = vector.extract_strided_slice %parallel_loop3A_325 {offsets = [0], sizes = [1], strides = [1]} : vector<16xi32> to vector<1xi32>
        %parallel_loop3A_327 = vector.extract %parallel_loop3A_326[0] : i32 from vector<1xi32>
        %parallel_loop3A_328 = vector.broadcast %parallel_loop3A_327 : i32 to vector<16xi32>
        %parallel_loop3A_329 = vector.bitcast %parallel_loop3A_328 : vector<16xi32> to vector<32xbf16>
        %parallel_loop3A_330 = arith.constant 1280 : i32
        %parallel_loop3A_331 = arith.addi %parallel_loop3A_330, %parallel_loop3A_288 : i32
        %parallel_loop3A_332 = arith.index_cast %parallel_loop3A_331 : i32 to index
        %parallel_loop3A_333 = tpu.vector_load %arg8[%parallel_loop3A_332] {strides = array<i32>} : memref<3840xi32, #tpu.memory_space<vmem>>, vector<16xi32>,
        %parallel_loop3A_334 = vector.extract_strided_slice %parallel_loop3A_333 {offsets = [0], sizes = [1], strides = [1]} : vector<16xi32> to vector<1xi32>
        %parallel_loop3A_335 = vector.extract %parallel_loop3A_334[0] : i32 from vector<1xi32>
        %parallel_loop3A_336 = vector.broadcast %parallel_loop3A_335 : i32 to vector<16xi32>
        %parallel_loop3A_337 = vector.bitcast %parallel_loop3A_336 : vector<16xi32> to vector<32xbf16>
        %parallel_loop3A_338 = arith.constant 1600 : i32
        %parallel_loop3A_339 = arith.addi %parallel_loop3A_338, %parallel_loop3A_288 : i32
        %parallel_loop3A_340 = arith.index_cast %parallel_loop3A_339 : i32 to index
        %parallel_loop3A_341 = tpu.vector_load %arg8[%parallel_loop3A_340] {strides = array<i32>} : memref<3840xi32, #tpu.memory_space<vmem>>, vector<16xi32>,
        %parallel_loop3A_342 = vector.extract_strided_slice %parallel_loop3A_341 {offsets = [0], sizes = [1], strides = [1]} : vector<16xi32> to vector<1xi32>
        %parallel_loop3A_343 = vector.extract %parallel_loop3A_342[0] : i32 from vector<1xi32>
        %parallel_loop3A_344 = vector.broadcast %parallel_loop3A_343 : i32 to vector<16xi32>
        %parallel_loop3A_345 = vector.bitcast %parallel_loop3A_344 : vector<16xi32> to vector<32xbf16>
        %parallel_loop3A_346 = arith.constant 0 : i32
        %parallel_loop3A_347 = arith.addi %parallel_loop3A_297, %parallel_loop3A_346 : i32
        %parallel_loop3A_348 = arith.index_cast %parallel_loop3A_347 : i32 to index
        %parallel_loop3A_349 = tpu.vector_load %arg10[%parallel_loop3A_348] {strides = array<i32>} : memref<384xi32, #tpu.memory_space<vmem>>, vector<16xi32>,
        %parallel_loop3A_350 = vector.bitcast %parallel_loop3A_349 : vector<16xi32> to vector<32xbf16>
        %parallel_loop3A_351 = arith.constant 16 : i32
        %parallel_loop3A_352 = arith.addi %parallel_loop3A_297, %parallel_loop3A_351 : i32
        %parallel_loop3A_353 = arith.index_cast %parallel_loop3A_352 : i32 to index
        %parallel_loop3A_354 = tpu.vector_load %arg10[%parallel_loop3A_353] {strides = array<i32>} : memref<384xi32, #tpu.memory_space<vmem>>, vector<16xi32>,
        %parallel_loop3A_355 = vector.bitcast %parallel_loop3A_354 : vector<16xi32> to vector<32xbf16>
        %parallel_loop3A_356 = arith.constant 32 : i32
        %parallel_loop3A_357 = arith.addi %parallel_loop3A_297, %parallel_loop3A_356 : i32
        %parallel_loop3A_358 = arith.index_cast %parallel_loop3A_357 : i32 to index
        %parallel_loop3A_359 = tpu.vector_load %arg10[%parallel_loop3A_358] {strides = array<i32>} : memref<384xi32, #tpu.memory_space<vmem>>, vector<16xi32>,
        %parallel_loop3A_360 = vector.bitcast %parallel_loop3A_359 : vector<16xi32> to vector<32xbf16>
        %parallel_loop3A_361 = arith.constant 48 : i32
        %parallel_loop3A_362 = arith.addi %parallel_loop3A_297, %parallel_loop3A_361 : i32
        %parallel_loop3A_363 = arith.index_cast %parallel_loop3A_362 : i32 to index
        %parallel_loop3A_364 = tpu.vector_load %arg10[%parallel_loop3A_363] {strides = array<i32>} : memref<384xi32, #tpu.memory_space<vmem>>, vector<16xi32>,
        %parallel_loop3A_365 = vector.bitcast %parallel_loop3A_364 : vector<16xi32> to vector<32xbf16>
        %parallel_loop3A_366 = arith.mulf %parallel_loop3A_305, %bitcast3A : vector<32xbf16>
        %parallel_loop3A_367 = arith.addf %parallel_loop3A_350, %parallel_loop3A_366 : vector<32xbf16>
        %parallel_loop3A_368 = arith.mulf %parallel_loop3A_305, %bitcast3A_6 : vector<32xbf16>
        %parallel_loop3A_369 = arith.addf %parallel_loop3A_355, %parallel_loop3A_368 : vector<32xbf16>
        %parallel_loop3A_370 = arith.mulf %parallel_loop3A_305, %bitcast3A_9 : vector<32xbf16>
        %parallel_loop3A_371 = arith.addf %parallel_loop3A_360, %parallel_loop3A_370 : vector<32xbf16>
        %parallel_loop3A_372 = arith.mulf %parallel_loop3A_305, %bitcast3A_12 : vector<32xbf16>
        %parallel_loop3A_373 = arith.addf %parallel_loop3A_365, %parallel_loop3A_372 : vector<32xbf16>
        %parallel_loop3A_374 = arith.mulf %parallel_loop3A_313, %bitcast3A_15 : vector<32xbf16>
        %parallel_loop3A_375 = arith.addf %parallel_loop3A_367, %parallel_loop3A_374 : vector<32xbf16>
        %parallel_loop3A_376 = arith.mulf %parallel_loop3A_313, %bitcast3A_18 : vector<32xbf16>
        %parallel_loop3A_377 = arith.addf %parallel_loop3A_369, %parallel_loop3A_376 : vector<32xbf16>
        %parallel_loop3A_378 = arith.mulf %parallel_loop3A_313, %bitcast3A_21 : vector<32xbf16>
        %parallel_loop3A_379 = arith.addf %parallel_loop3A_371, %parallel_loop3A_378 : vector<32xbf16>
        %parallel_loop3A_380 = arith.mulf %parallel_loop3A_313, %bitcast3A_24 : vector<32xbf16>
        %parallel_loop3A_381 = arith.addf %parallel_loop3A_373, %parallel_loop3A_380 : vector<32xbf16>
        %parallel_loop3A_382 = arith.mulf %parallel_loop3A_321, %bitcast3A_27 : vector<32xbf16>
        %parallel_loop3A_383 = arith.addf %parallel_loop3A_375, %parallel_loop3A_382 : vector<32xbf16>
        %parallel_loop3A_384 = arith.mulf %parallel_loop3A_321, %bitcast3A_30 : vector<32xbf16>
        %parallel_loop3A_385 = arith.addf %parallel_loop3A_377, %parallel_loop3A_384 : vector<32xbf16>
        %parallel_loop3A_386 = arith.mulf %parallel_loop3A_321, %bitcast3A_33 : vector<32xbf16>
        %parallel_loop3A_387 = arith.addf %parallel_loop3A_379, %parallel_loop3A_386 : vector<32xbf16>
        %parallel_loop3A_388 = arith.mulf %parallel_loop3A_321, %bitcast3A_36 : vector<32xbf16>
        %parallel_loop3A_389 = arith.addf %parallel_loop3A_381, %parallel_loop3A_388 : vector<32xbf16>
        %parallel_loop3A_390 = arith.mulf %parallel_loop3A_329, %bitcast3A_39 : vector<32xbf16>
        %parallel_loop3A_391 = arith.addf %parallel_loop3A_383, %parallel_loop3A_390 : vector<32xbf16>
        %parallel_loop3A_392 = arith.mulf %parallel_loop3A_329, %bitcast3A_42 : vector<32xbf16>
        %parallel_loop3A_393 = arith.addf %parallel_loop3A_385, %parallel_loop3A_392 : vector<32xbf16>
        %parallel_loop3A_394 = arith.mulf %parallel_loop3A_329, %bitcast3A_45 : vector<32xbf16>
        %parallel_loop3A_395 = arith.addf %parallel_loop3A_387, %parallel_loop3A_394 : vector<32xbf16>
        %parallel_loop3A_396 = arith.mulf %parallel_loop3A_329, %bitcast3A_48 : vector<32xbf16>
        %parallel_loop3A_397 = arith.addf %parallel_loop3A_389, %parallel_loop3A_396 : vector<32xbf16>
        %parallel_loop3A_398 = arith.mulf %parallel_loop3A_337, %bitcast3A_51 : vector<32xbf16>
        %parallel_loop3A_399 = arith.addf %parallel_loop3A_391, %parallel_loop3A_398 : vector<32xbf16>
        %parallel_loop3A_400 = arith.mulf %parallel_loop3A_337, %bitcast3A_54 : vector<32xbf16>
        %parallel_loop3A_401 = arith.addf %parallel_loop3A_393, %parallel_loop3A_400 : vector<32xbf16>
        %parallel_loop3A_402 = arith.mulf %parallel_loop3A_337, %bitcast3A_57 : vector<32xbf16>
        %parallel_loop3A_403 = arith.addf %parallel_loop3A_395, %parallel_loop3A_402 : vector<32xbf16>
        %parallel_loop3A_404 = arith.mulf %parallel_loop3A_337, %bitcast3A_60 : vector<32xbf16>
        %parallel_loop3A_405 = arith.addf %parallel_loop3A_397, %parallel_loop3A_404 : vector<32xbf16>
        %parallel_loop3A_406 = arith.mulf %parallel_loop3A_345, %bitcast3A_63 : vector<32xbf16>
        %parallel_loop3A_407 = arith.addf %parallel_loop3A_399, %parallel_loop3A_406 : vector<32xbf16>
        %parallel_loop3A_408 = arith.mulf %parallel_loop3A_345, %bitcast3A_66 : vector<32xbf16>
        %parallel_loop3A_409 = arith.addf %parallel_loop3A_401, %parallel_loop3A_408 : vector<32xbf16>
        %parallel_loop3A_410 = arith.mulf %parallel_loop3A_345, %bitcast3A_69 : vector<32xbf16>
        %parallel_loop3A_411 = arith.addf %parallel_loop3A_403, %parallel_loop3A_410 : vector<32xbf16>
        %parallel_loop3A_412 = arith.mulf %parallel_loop3A_345, %bitcast3A_72 : vector<32xbf16>
        %parallel_loop3A_413 = arith.addf %parallel_loop3A_405, %parallel_loop3A_412 : vector<32xbf16>
        %parallel_loop3A_414 = arith.constant 128 : i32
        %parallel_loop3A_415 = arith.muli %parallel_loop3A_288, %parallel_loop3A_414 : i32
        %parallel_loop3A_416 = arith.constant 0 : i32
        %parallel_loop3A_417 = arith.addi %parallel_loop3A_416, %parallel_loop3A_415 : i32
        %parallel_loop3A_418 = tpu.unpack_subelements %parallel_loop3A_407, 0 {pack_format = #tpu.pack_format<interleaved>} : vector<32xbf16> -> vector<16xf32>
        %parallel_loop3A_419 = tpu.unpack_subelements %parallel_loop3A_407, 1 {pack_format = #tpu.pack_format<interleaved>} : vector<32xbf16> -> vector<16xf32>
        %parallel_loop3A_420 = arith.constant 0 : i32
        %parallel_loop3A_421 = arith.addi %parallel_loop3A_417, %parallel_loop3A_420 : i32
        %parallel_loop3A_422 = arith.index_cast %parallel_loop3A_421 : i32 to index
        %parallel_loop3A_423 = tpu.vector_load %arg9[%parallel_loop3A_422] {strides = array<i32>} : memref<81920xf32, #tpu.memory_space<vmem>>, vector<16xf32>,
        tpu.vector_store %arg9[%parallel_loop3A_422], %parallel_loop3A_418 {strides = array<i32>} : memref<81920xf32, #tpu.memory_space<vmem>>, vector<16xf32>,
        %parallel_loop3A_424 = arith.constant 0 : i32
        %parallel_loop3A_425 = arith.addi %parallel_loop3A_417, %parallel_loop3A_424 : i32
        %parallel_loop3A_426 = arith.constant 16 : i32
        %parallel_loop3A_427 = arith.addi %parallel_loop3A_425, %parallel_loop3A_426 : i32
        %parallel_loop3A_428 = arith.index_cast %parallel_loop3A_427 : i32 to index
        %parallel_loop3A_429 = tpu.vector_load %arg9[%parallel_loop3A_428] {strides = array<i32>} : memref<81920xf32, #tpu.memory_space<vmem>>, vector<16xf32>,
        tpu.vector_store %arg9[%parallel_loop3A_428], %parallel_loop3A_419 {strides = array<i32>} : memref<81920xf32, #tpu.memory_space<vmem>>, vector<16xf32>,
        %parallel_loop3A_430 = tpu.unpack_subelements %parallel_loop3A_409, 0 {pack_format = #tpu.pack_format<interleaved>} : vector<32xbf16> -> vector<16xf32>
        %parallel_loop3A_431 = tpu.unpack_subelements %parallel_loop3A_409, 1 {pack_format = #tpu.pack_format<interleaved>} : vector<32xbf16> -> vector<16xf32>
        %parallel_loop3A_432 = arith.constant 32 : i32
        %parallel_loop3A_433 = arith.addi %parallel_loop3A_417, %parallel_loop3A_432 : i32
        %parallel_loop3A_434 = arith.index_cast %parallel_loop3A_433 : i32 to index
        %parallel_loop3A_435 = tpu.vector_load %arg9[%parallel_loop3A_434] {strides = array<i32>} : memref<81920xf32, #tpu.memory_space<vmem>>, vector<16xf32>,
        tpu.vector_store %arg9[%parallel_loop3A_434], %parallel_loop3A_430 {strides = array<i32>} : memref<81920xf32, #tpu.memory_space<vmem>>, vector<16xf32>,
        %parallel_loop3A_436 = arith.constant 32 : i32
        %parallel_loop3A_437 = arith.addi %parallel_loop3A_417, %parallel_loop3A_436 : i32
        %parallel_loop3A_438 = arith.constant 16 : i32
        %parallel_loop3A_439 = arith.addi %parallel_loop3A_437, %parallel_loop3A_438 : i32
        %parallel_loop3A_440 = arith.index_cast %parallel_loop3A_439 : i32 to index
        %parallel_loop3A_441 = tpu.vector_load %arg9[%parallel_loop3A_440] {strides = array<i32>} : memref<81920xf32, #tpu.memory_space<vmem>>, vector<16xf32>,
        tpu.vector_store %arg9[%parallel_loop3A_440], %parallel_loop3A_431 {strides = array<i32>} : memref<81920xf32, #tpu.memory_space<vmem>>, vector<16xf32>,
        %parallel_loop3A_442 = tpu.unpack_subelements %parallel_loop3A_411, 0 {pack_format = #tpu.pack_format<interleaved>} : vector<32xbf16> -> vector<16xf32>
        %parallel_loop3A_443 = tpu.unpack_subelements %parallel_loop3A_411, 1 {pack_format = #tpu.pack_format<interleaved>} : vector<32xbf16> -> vector<16xf32>
        %parallel_loop3A_444 = arith.constant 64 : i32
        %parallel_loop3A_445 = arith.addi %parallel_loop3A_417, %parallel_loop3A_444 : i32
        %parallel_loop3A_446 = arith.index_cast %parallel_loop3A_445 : i32 to index
        %parallel_loop3A_447 = tpu.vector_load %arg9[%parallel_loop3A_446] {strides = array<i32>} : memref<81920xf32, #tpu.memory_space<vmem>>, vector<16xf32>,
        tpu.vector_store %arg9[%parallel_loop3A_446], %parallel_loop3A_442 {strides = array<i32>} : memref<81920xf32, #tpu.memory_space<vmem>>, vector<16xf32>,
        %parallel_loop3A_448 = arith.constant 64 : i32
        %parallel_loop3A_449 = arith.addi %parallel_loop3A_417, %parallel_loop3A_448 : i32
        %parallel_loop3A_450 = arith.constant 16 : i32
        %parallel_loop3A_451 = arith.addi %parallel_loop3A_449, %parallel_loop3A_450 : i32
        %parallel_loop3A_452 = arith.index_cast %parallel_loop3A_451 : i32 to index
        %parallel_loop3A_453 = tpu.vector_load %arg9[%parallel_loop3A_452] {strides = array<i32>} : memref<81920xf32, #tpu.memory_space<vmem>>, vector<16xf32>,
        tpu.vector_store %arg9[%parallel_loop3A_452], %parallel_loop3A_443 {strides = array<i32>} : memref<81920xf32, #tpu.memory_space<vmem>>, vector<16xf32>,
        %parallel_loop3A_454 = tpu.unpack_subelements %parallel_loop3A_413, 0 {pack_format = #tpu.pack_format<interleaved>} : vector<32xbf16> -> vector<16xf32>
        %parallel_loop3A_455 = tpu.unpack_subelements %parallel_loop3A_413, 1 {pack_format = #tpu.pack_format<interleaved>} : vector<32xbf16> -> vector<16xf32>
        %parallel_loop3A_456 = arith.constant 96 : i32
        %parallel_loop3A_457 = arith.addi %parallel_loop3A_417, %parallel_loop3A_456 : i32
        %parallel_loop3A_458 = arith.index_cast %parallel_loop3A_457 : i32 to index
        %parallel_loop3A_459 = tpu.vector_load %arg9[%parallel_loop3A_458] {strides = array<i32>} : memref<81920xf32, #tpu.memory_space<vmem>>, vector<16xf32>,
        tpu.vector_store %arg9[%parallel_loop3A_458], %parallel_loop3A_454 {strides = array<i32>} : memref<81920xf32, #tpu.memory_space<vmem>>, vector<16xf32>,
        %parallel_loop3A_460 = arith.constant 96 : i32
        %parallel_loop3A_461 = arith.addi %parallel_loop3A_417, %parallel_loop3A_460 : i32
        %parallel_loop3A_462 = arith.constant 16 : i32
        %parallel_loop3A_463 = arith.addi %parallel_loop3A_461, %parallel_loop3A_462 : i32
        %parallel_loop3A_464 = arith.index_cast %parallel_loop3A_463 : i32 to index
        %parallel_loop3A_465 = tpu.vector_load %arg9[%parallel_loop3A_464] {strides = array<i32>} : memref<81920xf32, #tpu.memory_space<vmem>>, vector<16xf32>,
        tpu.vector_store %arg9[%parallel_loop3A_464], %parallel_loop3A_455 {strides = array<i32>} : memref<81920xf32, #tpu.memory_space<vmem>>, vector<16xf32>,
      } {sc.loop_unroll_factor = 4 : i64, sc.parallel_access}
      %mul3A_229 = arith.constant 320 : i32
      %mul3A_230 = arith.muli %add3A_208, %mul3A_229 : i32
      %add3A_231 = arith.addi %mul3A_2, %mul3A_230 : i32
      %mul3A_232 = arith.constant 128 : i32
      %mul3A_233 = arith.muli %add3A_231, %mul3A_232 : i32
      %dma_start3A_234 = arith.constant 0 : i32
      %dma_start3A_235 = tpu.memref_slice %arg9[%dma_start3A_234] : memref<81920xf32, #tpu.memory_space<vmem>> -> memref<40960xf32, #tpu.memory_space<vmem>>
      %dma_start3A_236 = tpu.memref_slice %arg6[%mul3A_233] : memref<26214400xf32, #tpu.memory_space<hbm>> -> memref<40960xf32, #tpu.memory_space<hbm>>
      %dma_start3A_237 = tpu.memref_slice %arg6[%mul3A_233] : memref<26214400xf32, #tpu.memory_space<hbm>> -> memref<40960xf32, #tpu.memory_space<hbm>>
      %dma_start3A_238 = arith.constant 0 : i32
      %dma_start3A_239 = tpu.memref_slice %arg9[%dma_start3A_238] : memref<81920xf32, #tpu.memory_space<vmem>> -> memref<40960xf32, #tpu.memory_space<vmem>>
      tpu.enqueue_dma source(%dma_start3A_239 : memref<40960xf32, #tpu.memory_space<vmem>>) target(%dma_start3A_237 : memref<40960xf32, #tpu.memory_space<hbm>>) target_semaphore(%arg14 : memref<!tpu.dma_semaphore, #tpu.memory_space<semaphore_mem>>)
      %lt3A = arith.constant 9 : i32
      %lt3A_240 = arith.cmpi slt, %scan3A_204, %lt3A : i32
      %convert_element_type3A_241 = arith.extui %lt3A_240 : i1 to i32
      %cond3A_242 = arith.constant 0 : i32
      %cond3A_243 = arith.cmpi ne, %convert_element_type3A_241, %cond3A_242 : i32
      scf.if %cond3A_243 {
        %add3A_288 = arith.constant 2 : i32
        %add3A_289 = arith.addi %add3A_208, %add3A_288 : i32
        %mul3A_290 = arith.constant 320 : i32
        %mul3A_291 = arith.muli %add3A_289, %mul3A_290 : i32
        %add3A_292 = arith.addi %mul3A_2, %mul3A_291 : i32
        %dma_start3A_293 = arith.constant 0 : i32
        %dma_start3A_294 = tpu.memref_slice %arg7[%dma_start3A_293] : memref<640xi32, #tpu.memory_space<vmem>> -> memref<320xi32, #tpu.memory_space<vmem>>
        %dma_start3A_295 = tpu.memref_slice %arg2[%add3A_292] : memref<204800xi32, #tpu.memory_space<hbm>> -> memref<320xi32, #tpu.memory_space<hbm>>
        %dma_start3A_296 = arith.constant 0 : i32
        %dma_start3A_297 = tpu.memref_slice %arg7[%dma_start3A_296] : memref<640xi32, #tpu.memory_space<vmem>> -> memref<320xi32, #tpu.memory_space<vmem>>
        %dma_start3A_298 = tpu.memref_slice %arg2[%add3A_292] : memref<204800xi32, #tpu.memory_space<hbm>> -> memref<320xi32, #tpu.memory_space<hbm>>
        tpu.enqueue_dma source(%dma_start3A_298 : memref<320xi32, #tpu.memory_space<hbm>>) target(%dma_start3A_297 : memref<320xi32, #tpu.memory_space<vmem>>) target_semaphore(%arg12 : memref<!tpu.dma_semaphore, #tpu.memory_space<semaphore_mem>>)
        %add3A_299 = arith.constant 0 : i32
        %add3A_300 = arith.addi %add3A_299, %add3A_292 : i32
        %dma_start3A_301 = arith.constant 0 : i32
        %dma_start3A_302 = tpu.memref_slice %arg8[%dma_start3A_301] : memref<3840xi32, #tpu.memory_space<vmem>> -> memref<320xi32, #tpu.memory_space<vmem>>
        %dma_start3A_303 = tpu.memref_slice %arg3[%add3A_300] : memref<1228800xi32, #tpu.memory_space<hbm>> -> memref<320xi32, #tpu.memory_space<hbm>>
        %dma_start3A_304 = arith.constant 0 : i32
        %dma_start3A_305 = tpu.memref_slice %arg8[%dma_start3A_304] : memref<3840xi32, #tpu.memory_space<vmem>> -> memref<320xi32, #tpu.memory_space<vmem>>
        %dma_start3A_306 = tpu.memref_slice %arg3[%add3A_300] : memref<1228800xi32, #tpu.memory_space<hbm>> -> memref<320xi32, #tpu.memory_space<hbm>>
        tpu.enqueue_dma source(%dma_start3A_306 : memref<320xi32, #tpu.memory_space<hbm>>) target(%dma_start3A_305 : memref<320xi32, #tpu.memory_space<vmem>>) target_semaphore(%arg12 : memref<!tpu.dma_semaphore, #tpu.memory_space<semaphore_mem>>)
        %add3A_307 = arith.constant 204800 : i32
        %add3A_308 = arith.addi %add3A_307, %add3A_292 : i32
        %dma_start3A_309 = arith.constant 320 : i32
        %dma_start3A_310 = tpu.memref_slice %arg8[%dma_start3A_309] : memref<3840xi32, #tpu.memory_space<vmem>> -> memref<320xi32, #tpu.memory_space<vmem>>
        %dma_start3A_311 = tpu.memref_slice %arg3[%add3A_308] : memref<1228800xi32, #tpu.memory_space<hbm>> -> memref<320xi32, #tpu.memory_space<hbm>>
        %dma_start3A_312 = arith.constant 320 : i32
        %dma_start3A_313 = tpu.memref_slice %arg8[%dma_start3A_312] : memref<3840xi32, #tpu.memory_space<vmem>> -> memref<320xi32, #tpu.memory_space<vmem>>
        %dma_start3A_314 = tpu.memref_slice %arg3[%add3A_308] : memref<1228800xi32, #tpu.memory_space<hbm>> -> memref<320xi32, #tpu.memory_space<hbm>>
        tpu.enqueue_dma source(%dma_start3A_314 : memref<320xi32, #tpu.memory_space<hbm>>) target(%dma_start3A_313 : memref<320xi32, #tpu.memory_space<vmem>>) target_semaphore(%arg12 : memref<!tpu.dma_semaphore, #tpu.memory_space<semaphore_mem>>)
        %add3A_315 = arith.constant 409600 : i32
        %add3A_316 = arith.addi %add3A_315, %add3A_292 : i32
        %dma_start3A_317 = arith.constant 640 : i32
        %dma_start3A_318 = tpu.memref_slice %arg8[%dma_start3A_317] : memref<3840xi32, #tpu.memory_space<vmem>> -> memref<320xi32, #tpu.memory_space<vmem>>
        %dma_start3A_319 = tpu.memref_slice %arg3[%add3A_316] : memref<1228800xi32, #tpu.memory_space<hbm>> -> memref<320xi32, #tpu.memory_space<hbm>>
        %dma_start3A_320 = arith.constant 640 : i32
        %dma_start3A_321 = tpu.memref_slice %arg8[%dma_start3A_320] : memref<3840xi32, #tpu.memory_space<vmem>> -> memref<320xi32, #tpu.memory_space<vmem>>
        %dma_start3A_322 = tpu.memref_slice %arg3[%add3A_316] : memref<1228800xi32, #tpu.memory_space<hbm>> -> memref<320xi32, #tpu.memory_space<hbm>>
        tpu.enqueue_dma source(%dma_start3A_322 : memref<320xi32, #tpu.memory_space<hbm>>) target(%dma_start3A_321 : memref<320xi32, #tpu.memory_space<vmem>>) target_semaphore(%arg12 : memref<!tpu.dma_semaphore, #tpu.memory_space<semaphore_mem>>)
        %add3A_323 = arith.constant 614400 : i32
        %add3A_324 = arith.addi %add3A_323, %add3A_292 : i32
        %dma_start3A_325 = arith.constant 960 : i32
        %dma_start3A_326 = tpu.memref_slice %arg8[%dma_start3A_325] : memref<3840xi32, #tpu.memory_space<vmem>> -> memref<320xi32, #tpu.memory_space<vmem>>
        %dma_start3A_327 = tpu.memref_slice %arg3[%add3A_324] : memref<1228800xi32, #tpu.memory_space<hbm>> -> memref<320xi32, #tpu.memory_space<hbm>>
        %dma_start3A_328 = arith.constant 960 : i32
        %dma_start3A_329 = tpu.memref_slice %arg8[%dma_start3A_328] : memref<3840xi32, #tpu.memory_space<vmem>> -> memref<320xi32, #tpu.memory_space<vmem>>
        %dma_start3A_330 = tpu.memref_slice %arg3[%add3A_324] : memref<1228800xi32, #tpu.memory_space<hbm>> -> memref<320xi32, #tpu.memory_space<hbm>>
        tpu.enqueue_dma source(%dma_start3A_330 : memref<320xi32, #tpu.memory_space<hbm>>) target(%dma_start3A_329 : memref<320xi32, #tpu.memory_space<vmem>>) target_semaphore(%arg12 : memref<!tpu.dma_semaphore, #tpu.memory_space<semaphore_mem>>)
        %add3A_331 = arith.constant 819200 : i32
        %add3A_332 = arith.addi %add3A_331, %add3A_292 : i32
        %dma_start3A_333 = arith.constant 1280 : i32
        %dma_start3A_334 = tpu.memref_slice %arg8[%dma_start3A_333] : memref<3840xi32, #tpu.memory_space<vmem>> -> memref<320xi32, #tpu.memory_space<vmem>>
        %dma_start3A_335 = tpu.memref_slice %arg3[%add3A_332] : memref<1228800xi32, #tpu.memory_space<hbm>> -> memref<320xi32, #tpu.memory_space<hbm>>
        %dma_start3A_336 = arith.constant 1280 : i32
        %dma_start3A_337 = tpu.memref_slice %arg8[%dma_start3A_336] : memref<3840xi32, #tpu.memory_space<vmem>> -> memref<320xi32, #tpu.memory_space<vmem>>
        %dma_start3A_338 = tpu.memref_slice %arg3[%add3A_332] : memref<1228800xi32, #tpu.memory_space<hbm>> -> memref<320xi32, #tpu.memory_space<hbm>>
        tpu.enqueue_dma source(%dma_start3A_338 : memref<320xi32, #tpu.memory_space<hbm>>) target(%dma_start3A_337 : memref<320xi32, #tpu.memory_space<vmem>>) target_semaphore(%arg12 : memref<!tpu.dma_semaphore, #tpu.memory_space<semaphore_mem>>)
        %add3A_339 = arith.constant 1024000 : i32
        %add3A_340 = arith.addi %add3A_339, %add3A_292 : i32
        %dma_start3A_341 = arith.constant 1600 : i32
        %dma_start3A_342 = tpu.memref_slice %arg8[%dma_start3A_341] : memref<3840xi32, #tpu.memory_space<vmem>> -> memref<320xi32, #tpu.memory_space<vmem>>
        %dma_start3A_343 = tpu.memref_slice %arg3[%add3A_340] : memref<1228800xi32, #tpu.memory_space<hbm>> -> memref<320xi32, #tpu.memory_space<hbm>>
        %dma_start3A_344 = arith.constant 1600 : i32
        %dma_start3A_345 = tpu.memref_slice %arg8[%dma_start3A_344] : memref<3840xi32, #tpu.memory_space<vmem>> -> memref<320xi32, #tpu.memory_space<vmem>>
        %dma_start3A_346 = tpu.memref_slice %arg3[%add3A_340] : memref<1228800xi32, #tpu.memory_space<hbm>> -> memref<320xi32, #tpu.memory_space<hbm>>
        tpu.enqueue_dma source(%dma_start3A_346 : memref<320xi32, #tpu.memory_space<hbm>>) target(%dma_start3A_345 : memref<320xi32, #tpu.memory_space<vmem>>) target_semaphore(%arg12 : memref<!tpu.dma_semaphore, #tpu.memory_space<semaphore_mem>>)
      } else {
      }
      %mul3A_244 = arith.constant 2 : i32
      %mul3A_245 = arith.muli %mul3A_244, %scan3A_204 : i32
      %add3A_246 = arith.constant 1 : i32
      %add3A_247 = arith.addi %mul3A_245, %add3A_246 : i32
      %dma_wait3A_248 = arith.constant 320 : i32
      %dma_wait3A_249 = tpu.memref_slice %arg7[%dma_wait3A_248] : memref<640xi32, #tpu.memory_space<vmem>> -> memref<320xi32, #tpu.memory_space<vmem>>
      %dma_wait3A_250 = arith.constant 0 : i32
      %dma_wait3A_251 = tpu.memref_slice %arg2[%dma_wait3A_250] : memref<204800xi32, #tpu.memory_space<hbm>> -> memref<320xi32, #tpu.memory_space<hbm>>
      %dma_wait3A_252 = arith.constant 320 : i32
      %dma_wait3A_253 = tpu.memref_slice %arg7[%dma_wait3A_252] : memref<640xi32, #tpu.memory_space<vmem>> -> memref<320xi32, #tpu.memory_space<vmem>>
      %dma_wait3A_254 = arith.constant 0 : i32
      %dma_wait3A_255 = tpu.memref_slice %arg2[%dma_wait3A_254] : memref<204800xi32, #tpu.memory_space<hbm>> -> memref<320xi32, #tpu.memory_space<hbm>>
      tpu.wait_dma2 semaphore(%arg13 : memref<!tpu.dma_semaphore, #tpu.memory_space<semaphore_mem>>) src(%dma_wait3A_255 : memref<320xi32, #tpu.memory_space<hbm>>) dst(%dma_wait3A_253 : memref<320xi32, #tpu.memory_space<vmem>>)
      %dma_wait3A_256 = arith.constant 1920 : i32
      %dma_wait3A_257 = tpu.memref_slice %arg8[%dma_wait3A_256] : memref<3840xi32, #tpu.memory_space<vmem>> -> memref<1920xi32, #tpu.memory_space<vmem>>
      %dma_wait3A_258 = arith.constant 0 : i32
      %dma_wait3A_259 = tpu.memref_slice %arg3[%dma_wait3A_258] : memref<1228800xi32, #tpu.memory_space<hbm>> -> memref<1920xi32, #tpu.memory_space<hbm>>
      %dma_wait3A_260 = arith.constant 1920 : i32
      %dma_wait3A_261 = tpu.memref_slice %arg8[%dma_wait3A_260] : memref<3840xi32, #tpu.memory_space<vmem>> -> memref<1920xi32, #tpu.memory_space<vmem>>
      %dma_wait3A_262 = arith.constant 0 : i32
      %dma_wait3A_263 = tpu.memref_slice %arg3[%dma_wait3A_262] : memref<1228800xi32, #tpu.memory_space<hbm>> -> memref<1920xi32, #tpu.memory_space<hbm>>
      tpu.wait_dma2 semaphore(%arg13 : memref<!tpu.dma_semaphore, #tpu.memory_space<semaphore_mem>>) src(%dma_wait3A_263 : memref<1920xi32, #tpu.memory_space<hbm>>) dst(%dma_wait3A_261 : memref<1920xi32, #tpu.memory_space<vmem>>)
      %gt3A_264 = arith.constant 0 : i32
      %gt3A_265 = arith.cmpi sgt, %scan3A_204, %gt3A_264 : i32
      %convert_element_type3A_266 = arith.extui %gt3A_265 : i1 to i32
      %cond3A_267 = arith.constant 0 : i32
      %cond3A_268 = arith.cmpi ne, %convert_element_type3A_266, %cond3A_267 : i32
      scf.if %cond3A_268 {
        %dma_wait3A_288 = arith.constant 40960 : i32
        %dma_wait3A_289 = tpu.memref_slice %arg9[%dma_wait3A_288] : memref<81920xf32, #tpu.memory_space<vmem>> -> memref<40960xf32, #tpu.memory_space<vmem>>
        %dma_wait3A_290 = arith.constant 0 : i32
        %dma_wait3A_291 = tpu.memref_slice %arg6[%dma_wait3A_290] : memref<26214400xf32, #tpu.memory_space<hbm>> -> memref<40960xf32, #tpu.memory_space<hbm>>
        %dma_wait3A_292 = arith.constant 0 : i32
        %dma_wait3A_293 = tpu.memref_slice %arg6[%dma_wait3A_292] : memref<26214400xf32, #tpu.memory_space<hbm>> -> memref<40960xf32, #tpu.memory_space<hbm>>
        %dma_wait3A_294 = arith.constant 40960 : i32
        %dma_wait3A_295 = tpu.memref_slice %arg9[%dma_wait3A_294] : memref<81920xf32, #tpu.memory_space<vmem>> -> memref<40960xf32, #tpu.memory_space<vmem>>
        tpu.wait_dma2 semaphore(%arg15 : memref<!tpu.dma_semaphore, #tpu.memory_space<semaphore_mem>>) src(%dma_wait3A_295 : memref<40960xf32, #tpu.memory_space<vmem>>) dst(%dma_wait3A_293 : memref<40960xf32, #tpu.memory_space<hbm>>)
      } else {
      }
      %parallel_loop3A_269 = arith.constant 0 : i32
      %parallel_loop3A_270 = arith.constant 320 : i32
      %parallel_loop3A_271 = arith.constant 1 : i32
      scf.for %parallel_loop3A_288 = %parallel_loop3A_269 to %parallel_loop3A_270 step %parallel_loop3A_271  : i32 {
        %parallel_loop3A_289 = arith.constant 320 : i32
        %parallel_loop3A_290 = arith.addi %parallel_loop3A_289, %parallel_loop3A_288 : i32
        %parallel_loop3A_291 = arith.index_cast %parallel_loop3A_290 : i32 to index
        %parallel_loop3A_292 = tpu.vector_load %arg7[%parallel_loop3A_291] {strides = array<i32>} : memref<640xi32, #tpu.memory_space<vmem>>, vector<16xi32>,
        %parallel_loop3A_293 = arith.constant 64 : i32
        %parallel_loop3A_294 = vector.broadcast %parallel_loop3A_293 : i32 to vector<16xi32>
        %parallel_loop3A_295 = arith.muli %parallel_loop3A_292, %parallel_loop3A_294 : vector<16xi32>
        %parallel_loop3A_296 = vector.extract_strided_slice %parallel_loop3A_295 {offsets = [0], sizes = [1], strides = [1]} : vector<16xi32> to vector<1xi32>
        %parallel_loop3A_297 = vector.extract %parallel_loop3A_296[0] : i32 from vector<1xi32>
        %parallel_loop3A_298 = arith.constant 1920 : i32
        %parallel_loop3A_299 = arith.addi %parallel_loop3A_298, %parallel_loop3A_288 : i32
        %parallel_loop3A_300 = arith.index_cast %parallel_loop3A_299 : i32 to index
        %parallel_loop3A_301 = tpu.vector_load %arg8[%parallel_loop3A_300] {strides = array<i32>} : memref<3840xi32, #tpu.memory_space<vmem>>, vector<16xi32>,
        %parallel_loop3A_302 = vector.extract_strided_slice %parallel_loop3A_301 {offsets = [0], sizes = [1], strides = [1]} : vector<16xi32> to vector<1xi32>
        %parallel_loop3A_303 = vector.extract %parallel_loop3A_302[0] : i32 from vector<1xi32>
        %parallel_loop3A_304 = vector.broadcast %parallel_loop3A_303 : i32 to vector<16xi32>
        %parallel_loop3A_305 = vector.bitcast %parallel_loop3A_304 : vector<16xi32> to vector<32xbf16>
        %parallel_loop3A_306 = arith.constant 2240 : i32
        %parallel_loop3A_307 = arith.addi %parallel_loop3A_306, %parallel_loop3A_288 : i32
        %parallel_loop3A_308 = arith.index_cast %parallel_loop3A_307 : i32 to index
        %parallel_loop3A_309 = tpu.vector_load %arg8[%parallel_loop3A_308] {strides = array<i32>} : memref<3840xi32, #tpu.memory_space<vmem>>, vector<16xi32>,
        %parallel_loop3A_310 = vector.extract_strided_slice %parallel_loop3A_309 {offsets = [0], sizes = [1], strides = [1]} : vector<16xi32> to vector<1xi32>
        %parallel_loop3A_311 = vector.extract %parallel_loop3A_310[0] : i32 from vector<1xi32>
        %parallel_loop3A_312 = vector.broadcast %parallel_loop3A_311 : i32 to vector<16xi32>
        %parallel_loop3A_313 = vector.bitcast %parallel_loop3A_312 : vector<16xi32> to vector<32xbf16>
        %parallel_loop3A_314 = arith.constant 2560 : i32
        %parallel_loop3A_315 = arith.addi %parallel_loop3A_314, %parallel_loop3A_288 : i32
        %parallel_loop3A_316 = arith.index_cast %parallel_loop3A_315 : i32 to index
        %parallel_loop3A_317 = tpu.vector_load %arg8[%parallel_loop3A_316] {strides = array<i32>} : memref<3840xi32, #tpu.memory_space<vmem>>, vector<16xi32>,
        %parallel_loop3A_318 = vector.extract_strided_slice %parallel_loop3A_317 {offsets = [0], sizes = [1], strides = [1]} : vector<16xi32> to vector<1xi32>
        %parallel_loop3A_319 = vector.extract %parallel_loop3A_318[0] : i32 from vector<1xi32>
        %parallel_loop3A_320 = vector.broadcast %parallel_loop3A_319 : i32 to vector<16xi32>
        %parallel_loop3A_321 = vector.bitcast %parallel_loop3A_320 : vector<16xi32> to vector<32xbf16>
        %parallel_loop3A_322 = arith.constant 2880 : i32
        %parallel_loop3A_323 = arith.addi %parallel_loop3A_322, %parallel_loop3A_288 : i32
        %parallel_loop3A_324 = arith.index_cast %parallel_loop3A_323 : i32 to index
        %parallel_loop3A_325 = tpu.vector_load %arg8[%parallel_loop3A_324] {strides = array<i32>} : memref<3840xi32, #tpu.memory_space<vmem>>, vector<16xi32>,
        %parallel_loop3A_326 = vector.extract_strided_slice %parallel_loop3A_325 {offsets = [0], sizes = [1], strides = [1]} : vector<16xi32> to vector<1xi32>
        %parallel_loop3A_327 = vector.extract %parallel_loop3A_326[0] : i32 from vector<1xi32>
        %parallel_loop3A_328 = vector.broadcast %parallel_loop3A_327 : i32 to vector<16xi32>
        %parallel_loop3A_329 = vector.bitcast %parallel_loop3A_328 : vector<16xi32> to vector<32xbf16>
        %parallel_loop3A_330 = arith.constant 3200 : i32
        %parallel_loop3A_331 = arith.addi %parallel_loop3A_330, %parallel_loop3A_288 : i32
        %parallel_loop3A_332 = arith.index_cast %parallel_loop3A_331 : i32 to index
        %parallel_loop3A_333 = tpu.vector_load %arg8[%parallel_loop3A_332] {strides = array<i32>} : memref<3840xi32, #tpu.memory_space<vmem>>, vector<16xi32>,
        %parallel_loop3A_334 = vector.extract_strided_slice %parallel_loop3A_333 {offsets = [0], sizes = [1], strides = [1]} : vector<16xi32> to vector<1xi32>
        %parallel_loop3A_335 = vector.extract %parallel_loop3A_334[0] : i32 from vector<1xi32>
        %parallel_loop3A_336 = vector.broadcast %parallel_loop3A_335 : i32 to vector<16xi32>
        %parallel_loop3A_337 = vector.bitcast %parallel_loop3A_336 : vector<16xi32> to vector<32xbf16>
        %parallel_loop3A_338 = arith.constant 3520 : i32
        %parallel_loop3A_339 = arith.addi %parallel_loop3A_338, %parallel_loop3A_288 : i32
        %parallel_loop3A_340 = arith.index_cast %parallel_loop3A_339 : i32 to index
        %parallel_loop3A_341 = tpu.vector_load %arg8[%parallel_loop3A_340] {strides = array<i32>} : memref<3840xi32, #tpu.memory_space<vmem>>, vector<16xi32>,
        %parallel_loop3A_342 = vector.extract_strided_slice %parallel_loop3A_341 {offsets = [0], sizes = [1], strides = [1]} : vector<16xi32> to vector<1xi32>
        %parallel_loop3A_343 = vector.extract %parallel_loop3A_342[0] : i32 from vector<1xi32>
        %parallel_loop3A_344 = vector.broadcast %parallel_loop3A_343 : i32 to vector<16xi32>
        %parallel_loop3A_345 = vector.bitcast %parallel_loop3A_344 : vector<16xi32> to vector<32xbf16>
        %parallel_loop3A_346 = arith.constant 0 : i32
        %parallel_loop3A_347 = arith.addi %parallel_loop3A_297, %parallel_loop3A_346 : i32
        %parallel_loop3A_348 = arith.index_cast %parallel_loop3A_347 : i32 to index
        %parallel_loop3A_349 = tpu.vector_load %arg10[%parallel_loop3A_348] {strides = array<i32>} : memref<384xi32, #tpu.memory_space<vmem>>, vector<16xi32>,
        %parallel_loop3A_350 = vector.bitcast %parallel_loop3A_349 : vector<16xi32> to vector<32xbf16>
        %parallel_loop3A_351 = arith.constant 16 : i32
        %parallel_loop3A_352 = arith.addi %parallel_loop3A_297, %parallel_loop3A_351 : i32
        %parallel_loop3A_353 = arith.index_cast %parallel_loop3A_352 : i32 to index
        %parallel_loop3A_354 = tpu.vector_load %arg10[%parallel_loop3A_353] {strides = array<i32>} : memref<384xi32, #tpu.memory_space<vmem>>, vector<16xi32>,
        %parallel_loop3A_355 = vector.bitcast %parallel_loop3A_354 : vector<16xi32> to vector<32xbf16>
        %parallel_loop3A_356 = arith.constant 32 : i32
        %parallel_loop3A_357 = arith.addi %parallel_loop3A_297, %parallel_loop3A_356 : i32
        %parallel_loop3A_358 = arith.index_cast %parallel_loop3A_357 : i32 to index
        %parallel_loop3A_359 = tpu.vector_load %arg10[%parallel_loop3A_358] {strides = array<i32>} : memref<384xi32, #tpu.memory_space<vmem>>, vector<16xi32>,
        %parallel_loop3A_360 = vector.bitcast %parallel_loop3A_359 : vector<16xi32> to vector<32xbf16>
        %parallel_loop3A_361 = arith.constant 48 : i32
        %parallel_loop3A_362 = arith.addi %parallel_loop3A_297, %parallel_loop3A_361 : i32
        %parallel_loop3A_363 = arith.index_cast %parallel_loop3A_362 : i32 to index
        %parallel_loop3A_364 = tpu.vector_load %arg10[%parallel_loop3A_363] {strides = array<i32>} : memref<384xi32, #tpu.memory_space<vmem>>, vector<16xi32>,
        %parallel_loop3A_365 = vector.bitcast %parallel_loop3A_364 : vector<16xi32> to vector<32xbf16>
        %parallel_loop3A_366 = arith.mulf %parallel_loop3A_305, %bitcast3A : vector<32xbf16>
        %parallel_loop3A_367 = arith.addf %parallel_loop3A_350, %parallel_loop3A_366 : vector<32xbf16>
        %parallel_loop3A_368 = arith.mulf %parallel_loop3A_305, %bitcast3A_6 : vector<32xbf16>
        %parallel_loop3A_369 = arith.addf %parallel_loop3A_355, %parallel_loop3A_368 : vector<32xbf16>
        %parallel_loop3A_370 = arith.mulf %parallel_loop3A_305, %bitcast3A_9 : vector<32xbf16>
        %parallel_loop3A_371 = arith.addf %parallel_loop3A_360, %parallel_loop3A_370 : vector<32xbf16>
        %parallel_loop3A_372 = arith.mulf %parallel_loop3A_305, %bitcast3A_12 : vector<32xbf16>
        %parallel_loop3A_373 = arith.addf %parallel_loop3A_365, %parallel_loop3A_372 : vector<32xbf16>
        %parallel_loop3A_374 = arith.mulf %parallel_loop3A_313, %bitcast3A_15 : vector<32xbf16>
        %parallel_loop3A_375 = arith.addf %parallel_loop3A_367, %parallel_loop3A_374 : vector<32xbf16>
        %parallel_loop3A_376 = arith.mulf %parallel_loop3A_313, %bitcast3A_18 : vector<32xbf16>
        %parallel_loop3A_377 = arith.addf %parallel_loop3A_369, %parallel_loop3A_376 : vector<32xbf16>
        %parallel_loop3A_378 = arith.mulf %parallel_loop3A_313, %bitcast3A_21 : vector<32xbf16>
        %parallel_loop3A_379 = arith.addf %parallel_loop3A_371, %parallel_loop3A_378 : vector<32xbf16>
        %parallel_loop3A_380 = arith.mulf %parallel_loop3A_313, %bitcast3A_24 : vector<32xbf16>
        %parallel_loop3A_381 = arith.addf %parallel_loop3A_373, %parallel_loop3A_380 : vector<32xbf16>
        %parallel_loop3A_382 = arith.mulf %parallel_loop3A_321, %bitcast3A_27 : vector<32xbf16>
        %parallel_loop3A_383 = arith.addf %parallel_loop3A_375, %parallel_loop3A_382 : vector<32xbf16>
        %parallel_loop3A_384 = arith.mulf %parallel_loop3A_321, %bitcast3A_30 : vector<32xbf16>
        %parallel_loop3A_385 = arith.addf %parallel_loop3A_377, %parallel_loop3A_384 : vector<32xbf16>
        %parallel_loop3A_386 = arith.mulf %parallel_loop3A_321, %bitcast3A_33 : vector<32xbf16>
        %parallel_loop3A_387 = arith.addf %parallel_loop3A_379, %parallel_loop3A_386 : vector<32xbf16>
        %parallel_loop3A_388 = arith.mulf %parallel_loop3A_321, %bitcast3A_36 : vector<32xbf16>
        %parallel_loop3A_389 = arith.addf %parallel_loop3A_381, %parallel_loop3A_388 : vector<32xbf16>
        %parallel_loop3A_390 = arith.mulf %parallel_loop3A_329, %bitcast3A_39 : vector<32xbf16>
        %parallel_loop3A_391 = arith.addf %parallel_loop3A_383, %parallel_loop3A_390 : vector<32xbf16>
        %parallel_loop3A_392 = arith.mulf %parallel_loop3A_329, %bitcast3A_42 : vector<32xbf16>
        %parallel_loop3A_393 = arith.addf %parallel_loop3A_385, %parallel_loop3A_392 : vector<32xbf16>
        %parallel_loop3A_394 = arith.mulf %parallel_loop3A_329, %bitcast3A_45 : vector<32xbf16>
        %parallel_loop3A_395 = arith.addf %parallel_loop3A_387, %parallel_loop3A_394 : vector<32xbf16>
        %parallel_loop3A_396 = arith.mulf %parallel_loop3A_329, %bitcast3A_48 : vector<32xbf16>
        %parallel_loop3A_397 = arith.addf %parallel_loop3A_389, %parallel_loop3A_396 : vector<32xbf16>
        %parallel_loop3A_398 = arith.mulf %parallel_loop3A_337, %bitcast3A_51 : vector<32xbf16>
        %parallel_loop3A_399 = arith.addf %parallel_loop3A_391, %parallel_loop3A_398 : vector<32xbf16>
        %parallel_loop3A_400 = arith.mulf %parallel_loop3A_337, %bitcast3A_54 : vector<32xbf16>
        %parallel_loop3A_401 = arith.addf %parallel_loop3A_393, %parallel_loop3A_400 : vector<32xbf16>
        %parallel_loop3A_402 = arith.mulf %parallel_loop3A_337, %bitcast3A_57 : vector<32xbf16>
        %parallel_loop3A_403 = arith.addf %parallel_loop3A_395, %parallel_loop3A_402 : vector<32xbf16>
        %parallel_loop3A_404 = arith.mulf %parallel_loop3A_337, %bitcast3A_60 : vector<32xbf16>
        %parallel_loop3A_405 = arith.addf %parallel_loop3A_397, %parallel_loop3A_404 : vector<32xbf16>
        %parallel_loop3A_406 = arith.mulf %parallel_loop3A_345, %bitcast3A_63 : vector<32xbf16>
        %parallel_loop3A_407 = arith.addf %parallel_loop3A_399, %parallel_loop3A_406 : vector<32xbf16>
        %parallel_loop3A_408 = arith.mulf %parallel_loop3A_345, %bitcast3A_66 : vector<32xbf16>
        %parallel_loop3A_409 = arith.addf %parallel_loop3A_401, %parallel_loop3A_408 : vector<32xbf16>
        %parallel_loop3A_410 = arith.mulf %parallel_loop3A_345, %bitcast3A_69 : vector<32xbf16>
        %parallel_loop3A_411 = arith.addf %parallel_loop3A_403, %parallel_loop3A_410 : vector<32xbf16>
        %parallel_loop3A_412 = arith.mulf %parallel_loop3A_345, %bitcast3A_72 : vector<32xbf16>
        %parallel_loop3A_413 = arith.addf %parallel_loop3A_405, %parallel_loop3A_412 : vector<32xbf16>
        %parallel_loop3A_414 = arith.constant 128 : i32
        %parallel_loop3A_415 = arith.muli %parallel_loop3A_288, %parallel_loop3A_414 : i32
        %parallel_loop3A_416 = arith.constant 40960 : i32
        %parallel_loop3A_417 = arith.addi %parallel_loop3A_416, %parallel_loop3A_415 : i32
        %parallel_loop3A_418 = tpu.unpack_subelements %parallel_loop3A_407, 0 {pack_format = #tpu.pack_format<interleaved>} : vector<32xbf16> -> vector<16xf32>
        %parallel_loop3A_419 = tpu.unpack_subelements %parallel_loop3A_407, 1 {pack_format = #tpu.pack_format<interleaved>} : vector<32xbf16> -> vector<16xf32>
        %parallel_loop3A_420 = arith.constant 0 : i32
        %parallel_loop3A_421 = arith.addi %parallel_loop3A_417, %parallel_loop3A_420 : i32
        %parallel_loop3A_422 = arith.index_cast %parallel_loop3A_421 : i32 to index
        %parallel_loop3A_423 = tpu.vector_load %arg9[%parallel_loop3A_422] {strides = array<i32>} : memref<81920xf32, #tpu.memory_space<vmem>>, vector<16xf32>,
        tpu.vector_store %arg9[%parallel_loop3A_422], %parallel_loop3A_418 {strides = array<i32>} : memref<81920xf32, #tpu.memory_space<vmem>>, vector<16xf32>,
        %parallel_loop3A_424 = arith.constant 0 : i32
        %parallel_loop3A_425 = arith.addi %parallel_loop3A_417, %parallel_loop3A_424 : i32
        %parallel_loop3A_426 = arith.constant 16 : i32
        %parallel_loop3A_427 = arith.addi %parallel_loop3A_425, %parallel_loop3A_426 : i32
        %parallel_loop3A_428 = arith.index_cast %parallel_loop3A_427 : i32 to index
        %parallel_loop3A_429 = tpu.vector_load %arg9[%parallel_loop3A_428] {strides = array<i32>} : memref<81920xf32, #tpu.memory_space<vmem>>, vector<16xf32>,
        tpu.vector_store %arg9[%parallel_loop3A_428], %parallel_loop3A_419 {strides = array<i32>} : memref<81920xf32, #tpu.memory_space<vmem>>, vector<16xf32>,
        %parallel_loop3A_430 = tpu.unpack_subelements %parallel_loop3A_409, 0 {pack_format = #tpu.pack_format<interleaved>} : vector<32xbf16> -> vector<16xf32>
        %parallel_loop3A_431 = tpu.unpack_subelements %parallel_loop3A_409, 1 {pack_format = #tpu.pack_format<interleaved>} : vector<32xbf16> -> vector<16xf32>
        %parallel_loop3A_432 = arith.constant 32 : i32
        %parallel_loop3A_433 = arith.addi %parallel_loop3A_417, %parallel_loop3A_432 : i32
        %parallel_loop3A_434 = arith.index_cast %parallel_loop3A_433 : i32 to index
        %parallel_loop3A_435 = tpu.vector_load %arg9[%parallel_loop3A_434] {strides = array<i32>} : memref<81920xf32, #tpu.memory_space<vmem>>, vector<16xf32>,
        tpu.vector_store %arg9[%parallel_loop3A_434], %parallel_loop3A_430 {strides = array<i32>} : memref<81920xf32, #tpu.memory_space<vmem>>, vector<16xf32>,
        %parallel_loop3A_436 = arith.constant 32 : i32
        %parallel_loop3A_437 = arith.addi %parallel_loop3A_417, %parallel_loop3A_436 : i32
        %parallel_loop3A_438 = arith.constant 16 : i32
        %parallel_loop3A_439 = arith.addi %parallel_loop3A_437, %parallel_loop3A_438 : i32
        %parallel_loop3A_440 = arith.index_cast %parallel_loop3A_439 : i32 to index
        %parallel_loop3A_441 = tpu.vector_load %arg9[%parallel_loop3A_440] {strides = array<i32>} : memref<81920xf32, #tpu.memory_space<vmem>>, vector<16xf32>,
        tpu.vector_store %arg9[%parallel_loop3A_440], %parallel_loop3A_431 {strides = array<i32>} : memref<81920xf32, #tpu.memory_space<vmem>>, vector<16xf32>,
        %parallel_loop3A_442 = tpu.unpack_subelements %parallel_loop3A_411, 0 {pack_format = #tpu.pack_format<interleaved>} : vector<32xbf16> -> vector<16xf32>
        %parallel_loop3A_443 = tpu.unpack_subelements %parallel_loop3A_411, 1 {pack_format = #tpu.pack_format<interleaved>} : vector<32xbf16> -> vector<16xf32>
        %parallel_loop3A_444 = arith.constant 64 : i32
        %parallel_loop3A_445 = arith.addi %parallel_loop3A_417, %parallel_loop3A_444 : i32
        %parallel_loop3A_446 = arith.index_cast %parallel_loop3A_445 : i32 to index
        %parallel_loop3A_447 = tpu.vector_load %arg9[%parallel_loop3A_446] {strides = array<i32>} : memref<81920xf32, #tpu.memory_space<vmem>>, vector<16xf32>,
        tpu.vector_store %arg9[%parallel_loop3A_446], %parallel_loop3A_442 {strides = array<i32>} : memref<81920xf32, #tpu.memory_space<vmem>>, vector<16xf32>,
        %parallel_loop3A_448 = arith.constant 64 : i32
        %parallel_loop3A_449 = arith.addi %parallel_loop3A_417, %parallel_loop3A_448 : i32
        %parallel_loop3A_450 = arith.constant 16 : i32
        %parallel_loop3A_451 = arith.addi %parallel_loop3A_449, %parallel_loop3A_450 : i32
        %parallel_loop3A_452 = arith.index_cast %parallel_loop3A_451 : i32 to index
        %parallel_loop3A_453 = tpu.vector_load %arg9[%parallel_loop3A_452] {strides = array<i32>} : memref<81920xf32, #tpu.memory_space<vmem>>, vector<16xf32>,
        tpu.vector_store %arg9[%parallel_loop3A_452], %parallel_loop3A_443 {strides = array<i32>} : memref<81920xf32, #tpu.memory_space<vmem>>, vector<16xf32>,
        %parallel_loop3A_454 = tpu.unpack_subelements %parallel_loop3A_413, 0 {pack_format = #tpu.pack_format<interleaved>} : vector<32xbf16> -> vector<16xf32>
        %parallel_loop3A_455 = tpu.unpack_subelements %parallel_loop3A_413, 1 {pack_format = #tpu.pack_format<interleaved>} : vector<32xbf16> -> vector<16xf32>
        %parallel_loop3A_456 = arith.constant 96 : i32
        %parallel_loop3A_457 = arith.addi %parallel_loop3A_417, %parallel_loop3A_456 : i32
        %parallel_loop3A_458 = arith.index_cast %parallel_loop3A_457 : i32 to index
        %parallel_loop3A_459 = tpu.vector_load %arg9[%parallel_loop3A_458] {strides = array<i32>} : memref<81920xf32, #tpu.memory_space<vmem>>, vector<16xf32>,
        tpu.vector_store %arg9[%parallel_loop3A_458], %parallel_loop3A_454 {strides = array<i32>} : memref<81920xf32, #tpu.memory_space<vmem>>, vector<16xf32>,
        %parallel_loop3A_460 = arith.constant 96 : i32
        %parallel_loop3A_461 = arith.addi %parallel_loop3A_417, %parallel_loop3A_460 : i32
        %parallel_loop3A_462 = arith.constant 16 : i32
        %parallel_loop3A_463 = arith.addi %parallel_loop3A_461, %parallel_loop3A_462 : i32
        %parallel_loop3A_464 = arith.index_cast %parallel_loop3A_463 : i32 to index
        %parallel_loop3A_465 = tpu.vector_load %arg9[%parallel_loop3A_464] {strides = array<i32>} : memref<81920xf32, #tpu.memory_space<vmem>>, vector<16xf32>,
        tpu.vector_store %arg9[%parallel_loop3A_464], %parallel_loop3A_455 {strides = array<i32>} : memref<81920xf32, #tpu.memory_space<vmem>>, vector<16xf32>,
      } {sc.loop_unroll_factor = 4 : i64, sc.parallel_access}
      %mul3A_272 = arith.constant 320 : i32
      %mul3A_273 = arith.muli %add3A_247, %mul3A_272 : i32
      %add3A_274 = arith.addi %mul3A_2, %mul3A_273 : i32
      %mul3A_275 = arith.constant 128 : i32
      %mul3A_276 = arith.muli %add3A_274, %mul3A_275 : i32
      %dma_start3A_277 = arith.constant 40960 : i32
      %dma_start3A_278 = tpu.memref_slice %arg9[%dma_start3A_277] : memref<81920xf32, #tpu.memory_space<vmem>> -> memref<40960xf32, #tpu.memory_space<vmem>>
      %dma_start3A_279 = tpu.memref_slice %arg6[%mul3A_276] : memref<26214400xf32, #tpu.memory_space<hbm>> -> memref<40960xf32, #tpu.memory_space<hbm>>
      %dma_start3A_280 = tpu.memref_slice %arg6[%mul3A_276] : memref<26214400xf32, #tpu.memory_space<hbm>> -> memref<40960xf32, #tpu.memory_space<hbm>>
      %dma_start3A_281 = arith.constant 40960 : i32
      %dma_start3A_282 = tpu.memref_slice %arg9[%dma_start3A_281] : memref<81920xf32, #tpu.memory_space<vmem>> -> memref<40960xf32, #tpu.memory_space<vmem>>
      tpu.enqueue_dma source(%dma_start3A_282 : memref<40960xf32, #tpu.memory_space<vmem>>) target(%dma_start3A_280 : memref<40960xf32, #tpu.memory_space<hbm>>) target_semaphore(%arg15 : memref<!tpu.dma_semaphore, #tpu.memory_space<semaphore_mem>>)
      %lt3A_283 = arith.constant 9 : i32
      %lt3A_284 = arith.cmpi slt, %scan3A_204, %lt3A_283 : i32
      %convert_element_type3A_285 = arith.extui %lt3A_284 : i1 to i32
      %cond3A_286 = arith.constant 0 : i32
      %cond3A_287 = arith.cmpi ne, %convert_element_type3A_285, %cond3A_286 : i32
      scf.if %cond3A_287 {
        %add3A_288 = arith.constant 2 : i32
        %add3A_289 = arith.addi %add3A_247, %add3A_288 : i32
        %mul3A_290 = arith.constant 320 : i32
        %mul3A_291 = arith.muli %add3A_289, %mul3A_290 : i32
        %add3A_292 = arith.addi %mul3A_2, %mul3A_291 : i32
        %dma_start3A_293 = arith.constant 320 : i32
        %dma_start3A_294 = tpu.memref_slice %arg7[%dma_start3A_293] : memref<640xi32, #tpu.memory_space<vmem>> -> memref<320xi32, #tpu.memory_space<vmem>>
        %dma_start3A_295 = tpu.memref_slice %arg2[%add3A_292] : memref<204800xi32, #tpu.memory_space<hbm>> -> memref<320xi32, #tpu.memory_space<hbm>>
        %dma_start3A_296 = arith.constant 320 : i32
        %dma_start3A_297 = tpu.memref_slice %arg7[%dma_start3A_296] : memref<640xi32, #tpu.memory_space<vmem>> -> memref<320xi32, #tpu.memory_space<vmem>>
        %dma_start3A_298 = tpu.memref_slice %arg2[%add3A_292] : memref<204800xi32, #tpu.memory_space<hbm>> -> memref<320xi32, #tpu.memory_space<hbm>>
        tpu.enqueue_dma source(%dma_start3A_298 : memref<320xi32, #tpu.memory_space<hbm>>) target(%dma_start3A_297 : memref<320xi32, #tpu.memory_space<vmem>>) target_semaphore(%arg13 : memref<!tpu.dma_semaphore, #tpu.memory_space<semaphore_mem>>)
        %add3A_299 = arith.constant 0 : i32
        %add3A_300 = arith.addi %add3A_299, %add3A_292 : i32
        %dma_start3A_301 = arith.constant 1920 : i32
        %dma_start3A_302 = tpu.memref_slice %arg8[%dma_start3A_301] : memref<3840xi32, #tpu.memory_space<vmem>> -> memref<320xi32, #tpu.memory_space<vmem>>
        %dma_start3A_303 = tpu.memref_slice %arg3[%add3A_300] : memref<1228800xi32, #tpu.memory_space<hbm>> -> memref<320xi32, #tpu.memory_space<hbm>>
        %dma_start3A_304 = arith.constant 1920 : i32
        %dma_start3A_305 = tpu.memref_slice %arg8[%dma_start3A_304] : memref<3840xi32, #tpu.memory_space<vmem>> -> memref<320xi32, #tpu.memory_space<vmem>>
        %dma_start3A_306 = tpu.memref_slice %arg3[%add3A_300] : memref<1228800xi32, #tpu.memory_space<hbm>> -> memref<320xi32, #tpu.memory_space<hbm>>
        tpu.enqueue_dma source(%dma_start3A_306 : memref<320xi32, #tpu.memory_space<hbm>>) target(%dma_start3A_305 : memref<320xi32, #tpu.memory_space<vmem>>) target_semaphore(%arg13 : memref<!tpu.dma_semaphore, #tpu.memory_space<semaphore_mem>>)
        %add3A_307 = arith.constant 204800 : i32
        %add3A_308 = arith.addi %add3A_307, %add3A_292 : i32
        %dma_start3A_309 = arith.constant 2240 : i32
        %dma_start3A_310 = tpu.memref_slice %arg8[%dma_start3A_309] : memref<3840xi32, #tpu.memory_space<vmem>> -> memref<320xi32, #tpu.memory_space<vmem>>
        %dma_start3A_311 = tpu.memref_slice %arg3[%add3A_308] : memref<1228800xi32, #tpu.memory_space<hbm>> -> memref<320xi32, #tpu.memory_space<hbm>>
        %dma_start3A_312 = arith.constant 2240 : i32
        %dma_start3A_313 = tpu.memref_slice %arg8[%dma_start3A_312] : memref<3840xi32, #tpu.memory_space<vmem>> -> memref<320xi32, #tpu.memory_space<vmem>>
        %dma_start3A_314 = tpu.memref_slice %arg3[%add3A_308] : memref<1228800xi32, #tpu.memory_space<hbm>> -> memref<320xi32, #tpu.memory_space<hbm>>
        tpu.enqueue_dma source(%dma_start3A_314 : memref<320xi32, #tpu.memory_space<hbm>>) target(%dma_start3A_313 : memref<320xi32, #tpu.memory_space<vmem>>) target_semaphore(%arg13 : memref<!tpu.dma_semaphore, #tpu.memory_space<semaphore_mem>>)
        %add3A_315 = arith.constant 409600 : i32
        %add3A_316 = arith.addi %add3A_315, %add3A_292 : i32
        %dma_start3A_317 = arith.constant 2560 : i32
        %dma_start3A_318 = tpu.memref_slice %arg8[%dma_start3A_317] : memref<3840xi32, #tpu.memory_space<vmem>> -> memref<320xi32, #tpu.memory_space<vmem>>
        %dma_start3A_319 = tpu.memref_slice %arg3[%add3A_316] : memref<1228800xi32, #tpu.memory_space<hbm>> -> memref<320xi32, #tpu.memory_space<hbm>>
        %dma_start3A_320 = arith.constant 2560 : i32
        %dma_start3A_321 = tpu.memref_slice %arg8[%dma_start3A_320] : memref<3840xi32, #tpu.memory_space<vmem>> -> memref<320xi32, #tpu.memory_space<vmem>>
        %dma_start3A_322 = tpu.memref_slice %arg3[%add3A_316] : memref<1228800xi32, #tpu.memory_space<hbm>> -> memref<320xi32, #tpu.memory_space<hbm>>
        tpu.enqueue_dma source(%dma_start3A_322 : memref<320xi32, #tpu.memory_space<hbm>>) target(%dma_start3A_321 : memref<320xi32, #tpu.memory_space<vmem>>) target_semaphore(%arg13 : memref<!tpu.dma_semaphore, #tpu.memory_space<semaphore_mem>>)
        %add3A_323 = arith.constant 614400 : i32
        %add3A_324 = arith.addi %add3A_323, %add3A_292 : i32
        %dma_start3A_325 = arith.constant 2880 : i32
        %dma_start3A_326 = tpu.memref_slice %arg8[%dma_start3A_325] : memref<3840xi32, #tpu.memory_space<vmem>> -> memref<320xi32, #tpu.memory_space<vmem>>
        %dma_start3A_327 = tpu.memref_slice %arg3[%add3A_324] : memref<1228800xi32, #tpu.memory_space<hbm>> -> memref<320xi32, #tpu.memory_space<hbm>>
        %dma_start3A_328 = arith.constant 2880 : i32
        %dma_start3A_329 = tpu.memref_slice %arg8[%dma_start3A_328] : memref<3840xi32, #tpu.memory_space<vmem>> -> memref<320xi32, #tpu.memory_space<vmem>>
        %dma_start3A_330 = tpu.memref_slice %arg3[%add3A_324] : memref<1228800xi32, #tpu.memory_space<hbm>> -> memref<320xi32, #tpu.memory_space<hbm>>
        tpu.enqueue_dma source(%dma_start3A_330 : memref<320xi32, #tpu.memory_space<hbm>>) target(%dma_start3A_329 : memref<320xi32, #tpu.memory_space<vmem>>) target_semaphore(%arg13 : memref<!tpu.dma_semaphore, #tpu.memory_space<semaphore_mem>>)
        %add3A_331 = arith.constant 819200 : i32
        %add3A_332 = arith.addi %add3A_331, %add3A_292 : i32
        %dma_start3A_333 = arith.constant 3200 : i32
        %dma_start3A_334 = tpu.memref_slice %arg8[%dma_start3A_333] : memref<3840xi32, #tpu.memory_space<vmem>> -> memref<320xi32, #tpu.memory_space<vmem>>
        %dma_start3A_335 = tpu.memref_slice %arg3[%add3A_332] : memref<1228800xi32, #tpu.memory_space<hbm>> -> memref<320xi32, #tpu.memory_space<hbm>>
        %dma_start3A_336 = arith.constant 3200 : i32
        %dma_start3A_337 = tpu.memref_slice %arg8[%dma_start3A_336] : memref<3840xi32, #tpu.memory_space<vmem>> -> memref<320xi32, #tpu.memory_space<vmem>>
        %dma_start3A_338 = tpu.memref_slice %arg3[%add3A_332] : memref<1228800xi32, #tpu.memory_space<hbm>> -> memref<320xi32, #tpu.memory_space<hbm>>
        tpu.enqueue_dma source(%dma_start3A_338 : memref<320xi32, #tpu.memory_space<hbm>>) target(%dma_start3A_337 : memref<320xi32, #tpu.memory_space<vmem>>) target_semaphore(%arg13 : memref<!tpu.dma_semaphore, #tpu.memory_space<semaphore_mem>>)
        %add3A_339 = arith.constant 1024000 : i32
        %add3A_340 = arith.addi %add3A_339, %add3A_292 : i32
        %dma_start3A_341 = arith.constant 3520 : i32
        %dma_start3A_342 = tpu.memref_slice %arg8[%dma_start3A_341] : memref<3840xi32, #tpu.memory_space<vmem>> -> memref<320xi32, #tpu.memory_space<vmem>>
        %dma_start3A_343 = tpu.memref_slice %arg3[%add3A_340] : memref<1228800xi32, #tpu.memory_space<hbm>> -> memref<320xi32, #tpu.memory_space<hbm>>
        %dma_start3A_344 = arith.constant 3520 : i32
        %dma_start3A_345 = tpu.memref_slice %arg8[%dma_start3A_344] : memref<3840xi32, #tpu.memory_space<vmem>> -> memref<320xi32, #tpu.memory_space<vmem>>
        %dma_start3A_346 = tpu.memref_slice %arg3[%add3A_340] : memref<1228800xi32, #tpu.memory_space<hbm>> -> memref<320xi32, #tpu.memory_space<hbm>>
        tpu.enqueue_dma source(%dma_start3A_346 : memref<320xi32, #tpu.memory_space<hbm>>) target(%dma_start3A_345 : memref<320xi32, #tpu.memory_space<vmem>>) target_semaphore(%arg13 : memref<!tpu.dma_semaphore, #tpu.memory_space<semaphore_mem>>)
      } else {
      }
    }
    %scan3A_188 = arith.constant 10 : i32
    %dma_wait3A = arith.constant 0 : i32
    %dma_wait3A_189 = tpu.memref_slice %arg9[%dma_wait3A] : memref<81920xf32, #tpu.memory_space<vmem>> -> memref<40960xf32, #tpu.memory_space<vmem>>
    %dma_wait3A_190 = arith.constant 0 : i32
    %dma_wait3A_191 = tpu.memref_slice %arg6[%dma_wait3A_190] : memref<26214400xf32, #tpu.memory_space<hbm>> -> memref<40960xf32, #tpu.memory_space<hbm>>
    %dma_wait3A_192 = arith.constant 0 : i32
    %dma_wait3A_193 = tpu.memref_slice %arg6[%dma_wait3A_192] : memref<26214400xf32, #tpu.memory_space<hbm>> -> memref<40960xf32, #tpu.memory_space<hbm>>
    %dma_wait3A_194 = arith.constant 0 : i32
    %dma_wait3A_195 = tpu.memref_slice %arg9[%dma_wait3A_194] : memref<81920xf32, #tpu.memory_space<vmem>> -> memref<40960xf32, #tpu.memory_space<vmem>>
    tpu.wait_dma2 semaphore(%arg14 : memref<!tpu.dma_semaphore, #tpu.memory_space<semaphore_mem>>) src(%dma_wait3A_195 : memref<40960xf32, #tpu.memory_space<vmem>>) dst(%dma_wait3A_193 : memref<40960xf32, #tpu.memory_space<hbm>>)
    %dma_wait3A_196 = arith.constant 40960 : i32
    %dma_wait3A_197 = tpu.memref_slice %arg9[%dma_wait3A_196] : memref<81920xf32, #tpu.memory_space<vmem>> -> memref<40960xf32, #tpu.memory_space<vmem>>
    %dma_wait3A_198 = arith.constant 0 : i32
    %dma_wait3A_199 = tpu.memref_slice %arg6[%dma_wait3A_198] : memref<26214400xf32, #tpu.memory_space<hbm>> -> memref<40960xf32, #tpu.memory_space<hbm>>
    %dma_wait3A_200 = arith.constant 0 : i32
    %dma_wait3A_201 = tpu.memref_slice %arg6[%dma_wait3A_200] : memref<26214400xf32, #tpu.memory_space<hbm>> -> memref<40960xf32, #tpu.memory_space<hbm>>
    %dma_wait3A_202 = arith.constant 40960 : i32
    %dma_wait3A_203 = tpu.memref_slice %arg9[%dma_wait3A_202] : memref<81920xf32, #tpu.memory_space<vmem>> -> memref<40960xf32, #tpu.memory_space<vmem>>
    tpu.wait_dma2 semaphore(%arg15 : memref<!tpu.dma_semaphore, #tpu.memory_space<semaphore_mem>>) src(%dma_wait3A_203 : memref<40960xf32, #tpu.memory_space<vmem>>) dst(%dma_wait3A_201 : memref<40960xf32, #tpu.memory_space<hbm>>)
    return
  }
}

</mosaic_0001>

<sc_bundles>
// kernel: _sc_fused.3.cloned.1.call-start
scs
__scs_entry_jumppad:
0x0: {  	(pc) =	sbr.rel $0x88, $3  }
0x1: {  	(tag) =	ssettag $0x0;
	lr =	simm.s32 $0x1  }
0x2: {  	[smem:$0x3F9D] =	sst lr;
	_ =	strace $0xD0000000  }
0x3: {  	_ = 	snop  }
0x4: {  	_ = 	snop  }
0x5: {  	_ = 	snop  }
0x6: {  	_ = 	snop  }
0x7: {  	_ = 	snop  }
__scs_overlays_trampoline_lowered:
0x8: {  	[smem:$0x3FAC] =	sst s0  }
0x9: {  	[smem:$0x3FAD] =	sst s1  }
0xa: {  	[smem:$0x3FAE] =	sst s2  }
0xb: {  	[smem:$0x3FAF] =	sst s3  }
0xc: {  	[smem:$0x3FB0] =	sst s4  }
0xd: {  	[smem:$0x3FB1] =	sst s5  }
0xe: {  	[smem:$0x3FB2] =	sst s6  }
0xf: {  	[smem:$0x3FB3] =	sst s7  }
0x10: {  	[smem:$0x3FB4] =	sst s8  }
0x11: {  	[smem:$0x3FB5] =	sst s9;
	s0 =	simm.s32 @!p0 $0x0  }
0x12: {  	s1 =	sld [smem:$0x3F9B];
	s0 =	simm.s32 @p0 $0x1  }
0x13: {  	[smem:$0x3FB6] =	sst s0;
	s0 =	simm.s32 @!p1 $0x0  }
0x14: {  	s2 =	sld [smem:$0x3F9A];
	s0 =	simm.s32 @p1 $0x1  }
0x15: {  	[smem:$0x3FB7] =	sst s0;
	s0 =	simm.s32 @!p2 $0x0  }
0x16: {  	s3 =	sld [smem:$0x3FDB];
	s0 =	simm.s32 @p2 $0x1  }
0x17: {  	s4 =	simm.s32 $0x1BF5;
	[smem:$0x3FB9] =	sst s0  }
0x18: {  	s0 =	sld [smem:$0x3F9C];
	_ =	swait.ge [sflag:s4], $0x0  }
0x19: {  	s7 =	sld [smem:$0x3F9D]  }
0x1a: {  	s8 =	sadd.s32 $0xFFFFE003, lr  }
0x1b: {  	s9 =	sadd.s32 $0xFFFFFEF7, lr;
	s5 =	simm.s32 $0xFFFFFFFF;
	p2 =	slt.u32 s8, $0xFFFFF086  }
0x1c: {  	p1 =	slt.u32 s9, $0xF7A;
	s5 =	simm.s32 @!p2 $0x0  }
0x1d: {  	s5 =	simm.s32 @p1 $0x1;
	p0 =	seq.s32 s7, s2  }
0x1e: {  	s7 =	smul.u32 @!p0 $0xF7A, s2;
	p2 =	seq.s32 @!p0 s5, $0x0  }
0x1f: {  	s9 =	smul.u32 $0xF7A, s1;
	s8 =	simm.s32 @!p0 $0x1BF5;
	p2 =	por !p2, p0  }
0x20: {  	[sflag:s8] =	ssyncset.s32 @!p0 $0xFFFFF086;
	s6 =	sadd.s32 @!p0 s3, s7;
	s7 =	simm.s32 @!p0 $0x108  }
0x21: {  	s3 =	sadd.s32 s3, s9;
	s6 =	sadd.s32 @!p0 $0x88, s6;
	s7 =	simm.s32 @p2 $0x1082  }
0x22: {  	[simem:s7], [sflag:s8] =	dma.local @!p0 [hbm:s6], $0xF7A  }
0x23: {  	s9 =	sor.u32 $0xD0000000, s2;
	s6 =	simm.s32 $0x108;
	_ =	swait.ge @!p0 [sflag:s8], $0x0  }
0x24: {  	s3 =	sadd.s32 $0x88, s3;
	s6 =	simm.s32 @!p1 $0x1082;
	[sflag:s4] =	ssyncset.s32 $0xFFFFF086  }
0x25: {  	[simem:s6], [sflag:s4] =	dma.local [hbm:s3], $0xF7A  }
0x26: {  	[smem:$0x3F9D] =	sst s1;
	(tag) =	ssettag s2;
	_ =	strace s9  }
0x27: {  	s1 =	sld [smem:$0x3FAD]  }
0x28: {  	s2 =	sld [smem:$0x3FAE]  }
0x29: {  	s4 =	sld [smem:$0x3FB0]  }
0x2a: {  	p0 =	seq.s32 s5, $0x0;
	s5 =	sld [smem:$0x3FB1]  }
0x2b: {  	s6 =	sld [smem:$0x3FB2]  }
0x2c: {  	s7 =	sld [smem:$0x3FB3]  }
0x2d: {  	s3 =	simm.s32 $0x108;
	s8 =	sld [smem:$0x3FB4]  }
0x2e: {  	s3 =	simm.s32 @!p0 $0x1082;
	s9 =	sld [smem:$0x3FB5]  }
0x2f: {  	lr =	sadd.s32 s0, s3;
	s0 =	sld [smem:$0x3FAC]  }
0x30: {  	s3 =	sld [smem:$0x3FAF]  }
0x31: {  	[smem:$0x3FB8] =	sst s10  }
0x32: {  	s10 =	sld [smem:$0x3FB6];
	_ =	sdelay $0x3  }
0x33: {  	p0 =	seq.s32 s10, $0x1;
	s10 =	sld [smem:$0x3FB8];
	_ =	sdelay $0x3  }
0x34: {  	[smem:$0x3FB8] =	sst s10  }
0x35: {  	s10 =	sld [smem:$0x3FB7];
	_ =	sdelay $0x3  }
0x36: {  	p1 =	seq.s32 s10, $0x1;
	s10 =	sld [smem:$0x3FB8];
	_ =	sdelay $0x3  }
0x37: {  	[smem:$0x3FB8] =	sst s10  }
0x38: {  	s10 =	sld [smem:$0x3FB9]  }
0x39: {  	_ = 	snop;
	(pc) =	sbr.ind lr, $3  }
0x3a: {  	_ = 	snop  }
0x3b: {  	_ = 	snop  }
0x3c: {  	p2 =	seq.s32 s10, $0x1;
	s10 =	sld [smem:$0x3FB8]  }
0x3d: {  	_ =	shalt  }
0x3e: {  	_ =	shalt  }
0x3f: {  	_ =	shalt  }
0x40: {  	_ =	shalt  }
0x41: {  	_ =	shalt  }
0x42: {  	_ =	shalt  }
0x43: {  	_ =	shalt  }
0x44: {  	_ =	shalt  }
0x45: {  	_ =	shalt  }
0x46: {  	_ =	shalt  }
0x47: {  	_ =	shalt  }
0x48: {  	_ =	shalt  }
0x49: {  	_ =	shalt  }
0x4a: {  	_ =	shalt  }
0x4b: {  	_ =	shalt  }
0x4c: {  	_ =	shalt  }
0x4d: {  	_ =	shalt  }
0x4e: {  	_ =	shalt  }
0x4f: {  	_ =	shalt  }
0x50: {  	_ =	shalt  }
0x51: {  	_ =	shalt  }
0x52: {  	_ =	shalt  }
0x53: {  	_ =	shalt  }
0x54: {  	_ =	shalt  }
0x55: {  	_ =	shalt  }
0x56: {  	_ =	shalt  }
0x57: {  	_ =	shalt  }
0x58: {  	_ =	shalt  }
0x59: {  	_ =	shalt  }
0x5a: {  	_ =	shalt  }
0x5b: {  	_ =	shalt  }
0x5c: {  	_ =	shalt  }
0x5d: {  	_ =	shalt  }
0x5e: {  	_ =	shalt  }
0x5f: {  	_ =	shalt  }
0x60: {  	_ =	shalt  }
0x61: {  	_ =	shalt  }
0x62: {  	_ =	shalt  }
0x63: {  	_ =	shalt  }
0x64: {  	_ =	shalt  }
0x65: {  	_ =	shalt  }
0x66: {  	_ =	shalt  }
0x67: {  	_ =	shalt  }
0x68: {  	_ =	shalt  }
0x69: {  	_ =	shalt  }
0x6a: {  	_ =	shalt  }
0x6b: {  	_ =	shalt  }
0x6c: {  	_ =	shalt  }
0x6d: {  	_ =	shalt  }
0x6e: {  	_ =	shalt  }
0x6f: {  	_ =	shalt  }
0x70: {  	_ =	shalt  }
0x71: {  	_ =	shalt  }
0x72: {  	_ =	shalt  }
0x73: {  	_ =	shalt  }
0x74: {  	_ =	shalt  }
0x75: {  	_ =	shalt  }
0x76: {  	_ =	shalt  }
0x77: {  	_ =	shalt  }
0x78: {  	_ =	shalt  }
0x79: {  	_ =	shalt  }
0x7a: {  	_ =	shalt  }
0x7b: {  	_ =	shalt  }
0x7c: {  	_ =	shalt  }
0x7d: {  	_ =	shalt  }
0x7e: {  	_ =	shalt  }
0x7f: {  	_ =	shalt  }
0x80: {  	_ =	shalt  }
0x81: {  	_ =	shalt  }
0x82: {  	_ =	shalt  }
0x83: {  	_ =	shalt  }
0x84: {  	_ =	shalt  }
0x85: {  	_ =	shalt  }
0x86: {  	_ =	shalt  }
0x87: {  	_ =	shalt  }
.Lfunc_end0:
.L_simem_size_0:
called_computation_lowered:
.L_overlay_start_0:
0x88: {  	s2 =	sld [smem:$0x3FD9]  }
0x89: {  	s3 =	sld [smem:$0x3FFE];
	_ =	sdelay $0x1  }
0x8a: {  	s1 =	srdreg.scid  }
0x8b: {  	s0 =	sand.u32 $0x1, s1  }
0x8c: {  	s18 =	sshll.u32 s0, $0xA;
	s2 =	sadd.s32 s3, s2  }
0x8d: {  	s2 =	sadd.s32 s2, s18  }
0x8e: {  	[smem:$0x3FC4] =	sst s2  }
0x8f: {  	_ = 	snop  }
0x90: {  	s2 =	sld [smem:$0x3FC9]  }
0x91: {  	s19 =	sld [smem:$0x3FC8]  }
0x92: {  	s4 =	sld [smem:$0x3FC7]  }
0x93: {  	s5 =	sld [smem:$0x3FC6]  }
0x94: {  	s6 =	sld [smem:$0x3FD0];
	(tm) =	ssettm $0x1  }
0x95: {  	s7 =	sld [smem:$0x3FFB];
	_ =	sdelay $0x3  }
0x96: {  	_ =	strace s7  }
0x97: {  	s7 =	sld [smem:$0x3FFC];
	_ =	sdelay $0x3  }
0x98: {  	_ =	strace s7  }
0x99: {  	s7 =	sld [smem:$0x3FFD];
	_ =	sdelay $0x3  }
0x9a: {  	_ =	strace s7  }
0x9b: {  	_ =	strace $0x8FFFFFFF  }
0x9c: {  	s20 =	sld [smem:$0x3FDB];
	_ =	sdelay $0x1  }
0x9d: {  	s8 =	simm.s32 $_scs_section_size  }
0x9e: {  	s9 =	simm.s32 $_size__tile_overlayer_lowered;
	s10 =	simm.s32 $_tile_overlayer_lowered  }
0x9f: {  	s23 =	simm.s32 $0x1BFF;
	s22 =	sshll.u32 s10, $0x1;
	s7 =	sadd.s32 s8, s20  }
0xa0: {  	s11 =	simm.s32 $0x0;
	s21 =	sshll.u32 s9, $0x1;
	s9 =	sadd.s32 s22, s7  }
0xa1: {  	[timem:s11], [sflag:s23] =	dma.local [hbm:s9], s21  }
0xa2: {  	_ =	swait.ge [sflag:s23], s21  }
0xa3: {  	s8 =	ssub.s32 $0x0, s21;
	[sflag:s23] =	ssyncset.done $0x0  }
0xa4: {  	[sflag:s23] =	ssyncadd.s32 s8;
	_ =	sdelay $0x1  }
0xa5: {  	s24 =	simm.s32 $0x1B8B  }
0xa6: {  	_ =	swait.ge [sflag:s24], $0x1  }
0xa7: {  	[sflag:s24] =	ssyncset.done $0x0  }
0xa8: {  	s25 =	simm.s32 $0x1B8E;
	[sflag:s24] =	ssyncadd.s32 $0xFFFFFFFF  }
0xa9: {  	s26 =	simm.s32 $execute0_lowered;
	[smem:$0x3FD2] =	sst s25  }
0xaa: {  	s8 =	sshll.u32 s26, $0x1;
	_ =	strace $0x80000046;
	[dreg:$0x1] =	wrdreg $0xFFFFFFFF  }
0xab: {  	s28 =	simm.s32 $_size_execute0_lowered;
	s7 =	sadd.s32 s7, s8;
	[dreg:$0x0] =	wrdreg $0x0  }
0xac: {  	s8 =	sshll.u32 s28, $0x1;
	[dreg:$0x2] =	wrdreg s7  }
0xad: {  	[dreg:$0x3] =	wrdreg s8  }
0xae: {  	[dreg:$0x4] =	wrdreg $0xC0  }
0xaf: {  	_ =	task [dreg:s11], $0x5FFFF  }
0xb0: {  	[dreg:$0x1] =	wrdreg $0xFFFFFFFF  }
0xb1: {  	[dreg:$0x0] =	wrdreg $0x60  }
0xb2: {  	[dreg:$0x2] =	wrdreg s2  }
0xb3: {  	[dreg:$0x3] =	wrdreg s19  }
0xb4: {  	[dreg:$0x4] =	wrdreg s4  }
0xb5: {  	[dreg:$0x5] =	wrdreg s5  }
0xb6: {  	[dreg:$0x6] =	wrdreg s6  }
0xb7: {  	[dreg:$0x7] =	wrdreg $0x9  }
0xb8: {  	_ =	task.clear_ibuf [dreg:s11], $0x8FFFF;
	_ =	strace $0x90000046  }
0xb9: {  	s29 =	simm.s32 $0x9;
	_ =	strace $0x80000048  }
0xba: {  	_ =	swait.ge [sflag:s29], $0x1  }
0xbb: {  	[sflag:s29] =	ssyncadd.s32 $0xFFFFFFFF  }
0xbc: {  	_ =	strace $0x90000048  }
0xbd: {  	_ =	sfence  }
0xbe: {  	s30 =	sld [smem:$0x0];
	_ =	sdelay $0x2  }
0xbf: {  	s31 =	sshll.u32 s1, $0xD;
	s1 =	sshrl.u32 s1, $0x2  }
0xc0: {  	s3 =	sand.u32 $0x4000, s31;
	s1 =	sadd.s32 s1, s30  }
0xc1: {  	s0 =	sor.u32 s3, s0;
	s1 =	sshll.u32 s1, $0x11  }
0xc2: {  	s0 =	sor.u32 s1, s0  }
0xc3: {  	s0 =	sadd.s32 $0x8F2B, s0  }
0xc4: {  	[sflag:s0] =	ssyncadd.remote.s32 $0x1  }
0xc5: {  	_ =	sfence.sel $0xFFFF  }
0xc6: {  	[dreg:$0x0] =	wrdreg $0xFFFFFFFF;
	(pc) =	sbr.abs _section_cstart, $3  }
0xc7: {  	[dreg:$0x1] =	wrdreg $0xFFFFFFFF  }
0xc8: {  	_ =	task.clear_ibuf [dreg:s11], $0x2FFFF;
	_ =	strace $0x9FFFFFFF  }
0xc9: {  	(tm) =	ssettm $0x7FFFFFFF  }
tec
execute0_lowered:
.L_overlay_start_1:
0x0: {  	(tag) =	ssettag $0x1  }
0x1: {  	s1 =	rddreg [dreg:$0x0]  }
0x2: {  	s0 =	srdreg.scid;
	s3 =	stileid.u32  }
0x3: {  	s2 =	rddreg [dreg:$0x1];
	s0 =	sand.u32 $0x1, s0;
	s3 =	sshll.u32 s3, $0x1  }
0x4: {  	s6 =	rddreg [dreg:$0x4];
	s3 =	sor.u32 s0, s3;
	s0 =	ssub.s32 $0x2, s0  }
0x5: {  	s8 =	simm.s32 $0x0;
	s7 =	smul.u32 $0x1900, s3;
	s4 =	sshrl.u32 s0, $0x1  }
0x6: {  	[smem:$0x7FF] =	sst s8;
	s0 =	ssub.s32 s0, s4  }
0x7: {  	_ =	strace $0x80000047;
	s3 =	sshrl.u32 s7, $0x3;
	s0 =	smax.u32 s0, $0x1  }
0x8: {  	s5 =	sadd.s32 s2, s3;
	s3 =	sadd.s32 s1, s3;
	[dreg:$0x14] =	wrdreg s0  }
0x9: {  	[dreg:$0x7] =	wrdreg s3  }
0xa: {  	s30 =	simm.s32 $0x140;
	s16 =	sadd.s32 $0x6400, s5;
	[dreg:$0x6] =	wrdreg s5  }
0xb: {  	s31 =	simm.s32 $0xA00;
	s17 =	sadd.s32 $0xC800, s5;
	[dreg:$0x8] =	wrdreg s16  }
0xc: {  	s28 =	simm.s32 $0x1040;
	s18 =	sadd.s32 $0x12C00, s5;
	[dreg:$0x9] =	wrdreg s17  }
0xd: {  	s14 =	sadd.s32 $0x140, s7;
	s19 =	sadd.s32 $0x19000, s5;
	[dreg:$0xa] =	wrdreg s18  }
0xe: {  	s21 =	sshrl.u32 s14, $0x3;
	s20 =	sadd.s32 $0x1F400, s5;
	[dreg:$0xb] =	wrdreg s19  }
0xf: {  	s10 =	simm.s32 $0x1;
	s22 =	sadd.s32 s1, s21;
	[dreg:$0xc] =	wrdreg s20  }
0x10: {  	s11 =	simm.s32 $0x1180;
	s3 =	sadd.s32 s2, s21;
	[dreg:$0xd] =	wrdreg s22  }
0x11: {  	s12 =	simm.s32 $0x2;
	s23 =	sadd.s32 $0x6428, s5;
	[dreg:$0xe] =	wrdreg s3  }
0x12: {  	s13 =	simm.s32 $0xB180;
	s24 =	sadd.s32 $0xC828, s5;
	[dreg:$0xf] =	wrdreg s23  }
.Ltmp0:
0x13: {  	s25 =	sadd.s32 $0x12C28, s5;
	[dreg:$0x10] =	wrdreg s24;
	(pc) =	sbr.rel .LBB2_1-.Ltmp0, $4  }
0x14: {  	s4 =	simm.s32 $0xB40;
	s26 =	sadd.s32 $0x19028, s5;
	[dreg:$0x11] =	wrdreg s25  }
0x15: {  	s0 =	simm.s32 $0xC80;
	s29 =	sadd.s32 $0x1F428, s5;
	[dreg:$0x12] =	wrdreg s26  }
0x16: {  	s5 =	simm.s32 $0xF00;
	[dreg:$0x13] =	wrdreg s29;
	s24 =	sadd.s32 $0x280, s7  }
0x17: {  	s26 =	sadd.s32 $0x3C0, s7;
	s3 =	simm.s32 $0xDC0;
	s16 =	simm.s32 $0x0  }
.LBB2_8:
0x18: {  	s9 =	simm.s32 $0x3  }
0x19: {  	_ =	swait.ge [sflag:s9], $0xA000  }
0x1a: {  	[sflag:s9] =	ssyncset.done $0x0  }
0x1b: {  	s15 =	simm.s32 $0x4;
	[sflag:s9] =	ssyncadd.s32 $0xFFFF6000  }
0x1c: {  	_ =	swait.ge [sflag:s15], $0xA000  }
0x1d: {  	s16 =	rddreg [dreg:$0x15]  }
0x1e: {  	s29 =	rddreg [dreg:$0x14];
	s16 =	sadd.s32 $0x1, s16  }
0x1f: {  	p0 =	sne.s32 s16, s29  }
.Ltmp1:
0x20: {  	_ = 	snop;
	(pc) =	sbr.rel @!p0 .LBB2_9-.Ltmp1, $3  }
0x21: {  	_ =	sdelay $0x1  }
0x22: {  	[sflag:s15] =	ssyncset.done $0x0  }
0x23: {  	[sflag:s15] =	ssyncadd.s32 $0xFFFF6000  }
.LBB2_1:
0x24: {  	[dreg:$0x15] =	wrdreg s16  }
0x25: {  	s9 =	rddreg [dreg:$0x3];
	s15 =	simm.s32 $0x15180;
	s23 =	simm.s32 $0x5  }
0x26: {  	[tilespmem:s15], [sflag:$0x5] =	stream.linear.gather [hbm4b:s9+s8], $0x180, $0x38;
	[tilespmem:$0x15480] =	vst v63  }
0x27: {  	_ =	swait.ge [sflag:s23], $0x180  }
0x28: {  	[sflag:s23] =	ssyncset.done $0x0  }
0x29: {  	[sflag:s23] =	ssyncadd.s32 $0xFFFFFE80  }
0x2a: {  	s29 =	simm.s32 $0x15300;
	s25 =	rddreg [dreg:$0x2]  }
0x2b: {  	[tilespmem:s29], [sflag:$0x5] =	stream.linear.gather [hbm4b:s25+s8], $0x180, $0x38;
	[tilespmem:$0x15480] =	vst v63  }
0x2c: {  	_ =	swait.ge [sflag:s23], $0x180  }
0x2d: {  	[sflag:s23] =	ssyncset.done $0x0  }
0x2e: {  	[sflag:s23] =	ssyncadd.s32 $0xFFFFFE80  }
0x2f: {  	v0 =	vld [tilespmem:$0x15300]  }
0x30: {  	v57 =	vld [tilespmem:$0x15310]  }
0x31: {  	v58 =	vld [tilespmem:$0x15320]  }
0x32: {  	v59 =	vld [tilespmem:$0x15330]  }
0x33: {  	v60 =	vld [tilespmem:$0x15340]  }
0x34: {  	v11 =	vld [tilespmem:$0x15350]  }
0x35: {  	v13 =	vld [tilespmem:$0x15360]  }
0x36: {  	v14 =	vld [tilespmem:$0x15370]  }
0x37: {  	v15 =	vld [tilespmem:$0x15380]  }
0x38: {  	v16 =	vld [tilespmem:$0x15390]  }
0x39: {  	v17 =	vld [tilespmem:$0x153A0]  }
0x3a: {  	v18 =	vld [tilespmem:$0x153B0]  }
0x3b: {  	v19 =	vld [tilespmem:$0x153C0]  }
0x3c: {  	v20 =	vld [tilespmem:$0x153D0]  }
0x3d: {  	v21 =	vld [tilespmem:$0x153E0]  }
0x3e: {  	v22 =	vld [tilespmem:$0x153F0]  }
0x3f: {  	v23 =	vld [tilespmem:$0x15400]  }
0x40: {  	v62 =	vld [tilespmem:$0x15410]  }
0x41: {  	v63 =	vld [tilespmem:$0x15420]  }
0x42: {  	v61 =	vld [tilespmem:$0x15430]  }
0x43: {  	v4 =	vld [tilespmem:$0x15440]  }
0x44: {  	v5 =	vld [tilespmem:$0x15450]  }
0x45: {  	s17 =	rddreg [dreg:$0x7];
	v6 =	vld [tilespmem:$0x15460]  }
0x46: {  	v12 =	vld [tilespmem:$0x15470];
	[tilespmem:s8], [sflag:$0x1] =	stream.linear.gather [hbm4b:s17+s8], $0x140, $0x38  }
0x47: {  	s19 =	simm.s32 $0x280;
	s18 =	rddreg [dreg:$0x6]  }
0x48: {  	[tilespmem:s19], [sflag:$0x1] =	stream.linear.gather [hbm4b:s18+s8], $0x140, $0x38;
	[tilespmem:$0x15480] =	vst v63  }
0x49: {  	s21 =	simm.s32 $0x3C0;
	s20 =	rddreg [dreg:$0x8]  }
0x4a: {  	[tilespmem:s21], [sflag:$0x1] =	stream.linear.gather [hbm4b:s20+s8], $0x140, $0x38;
	[tilespmem:$0x15480] =	vst v63  }
0x4b: {  	[tilespmem:$0x1FF40] =	vst v0  }
0x4c: {  	s22 =	rddreg [dreg:$0x9];
	s23 =	simm.s32 $0x500;
	[tilespmem:$0x1FF50] =	vst v57  }
0x4d: {  	[tilespmem:s23], [sflag:$0x1] =	stream.linear.gather [hbm4b:s22+s8], $0x140, $0x38;
	[tilespmem:$0x15480] =	vst v63  }
0x4e: {  	s29 =	simm.s32 $0x640;
	s25 =	rddreg [dreg:$0xa];
	[tilespmem:$0x1FF60] =	vst v58  }
0x4f: {  	[tilespmem:s29], [sflag:$0x1] =	stream.linear.gather [hbm4b:s25+s8], $0x140, $0x38;
	[tilespmem:$0x15480] =	vst v63  }
0x50: {  	s16 =	simm.s32 $0x780;
	s15 =	rddreg [dreg:$0xb];
	[tilespmem:$0x1FF70] =	vst v59  }
0x51: {  	[tilespmem:s16], [sflag:$0x1] =	stream.linear.gather [hbm4b:s15+s8], $0x140, $0x38;
	[tilespmem:$0x15480] =	vst v63  }
0x52: {  	s17 =	rddreg [dreg:$0xc];
	s18 =	simm.s32 $0x8C0;
	[tilespmem:$0x1FF80] =	vst v60  }
0x53: {  	[tilespmem:s18], [sflag:$0x1] =	stream.linear.gather [hbm4b:s17+s8], $0x140, $0x38;
	[tilespmem:$0x15480] =	vst v63  }
0x54: {  	s19 =	rddreg [dreg:$0xd];
	[tilespmem:$0x1FF90] =	vst v61  }
0x55: {  	[tilespmem:s30], [sflag:$0x2] =	stream.linear.gather [hbm4b:s19+s8], $0x140, $0x38;
	[tilespmem:$0x15480] =	vst v63  }
0x56: {  	s20 =	rddreg [dreg:$0xe];
	[tilespmem:$0x1FFA0] =	vst v62  }
0x57: {  	[tilespmem:s31], [sflag:$0x2] =	stream.linear.gather [hbm4b:s20+s8], $0x140, $0x38;
	[tilespmem:$0x15480] =	vst v63  }
0x58: {  	s21 =	rddreg [dreg:$0xf];
	[tilespmem:$0x1FFB0] =	vst v63  }
0x59: {  	[tilespmem:s4], [sflag:$0x2] =	stream.linear.gather [hbm4b:s21+s8], $0x140, $0x38;
	[tilespmem:$0x15480] =	vst v63  }
0x5a: {  	[tilespmem:$0x1FFC0] =	vst v4;
	s22 =	rddreg [dreg:$0x10]  }
0x5b: {  	[tilespmem:s0], [sflag:$0x2] =	stream.linear.gather [hbm4b:s22+s8], $0x140, $0x38;
	[tilespmem:$0x15480] =	vst v63  }
0x5c: {  	[tilespmem:$0x1FFD0] =	vst v5;
	s23 =	rddreg [dreg:$0x11]  }
0x5d: {  	[tilespmem:s3], [sflag:$0x2] =	stream.linear.gather [hbm4b:s23+s8], $0x140, $0x38;
	[tilespmem:$0x15480] =	vst v63  }
0x5e: {  	[tilespmem:$0x1FFE0] =	vst v6;
	s25 =	rddreg [dreg:$0x12]  }
0x5f: {  	[tilespmem:s5], [sflag:$0x2] =	stream.linear.gather [hbm4b:s25+s8], $0x140, $0x38;
	[tilespmem:$0x15480] =	vst v63  }
0x60: {  	[tilespmem:$0x1FFF0] =	vst v12;
	s29 =	rddreg [dreg:$0x13];
	s18 =	simm.s32 $0x0  }
0x61: {  	[tilespmem:s28], [sflag:$0x2] =	stream.linear.gather [hbm4b:s29+s8], $0x140, $0x38;
	[tilespmem:$0x15480] =	vst v63  }
.LBB2_2:
0x62: {  	_ =	swait.ge [sflag:s10], $0x140  }
0x63: {  	[sflag:s10] =	ssyncset.done $0x0  }
0x64: {  	[sflag:s10] =	ssyncadd.s32 $0xFFFFFEC0  }
0x65: {  	_ =	swait.ge [sflag:s10], $0x780  }
0x66: {  	p0 =	seq.s32 s18, $0x0;
	[sflag:s10] =	ssyncset.done $0x0  }
0x67: {  	s9 =	simm.s32 @!p0 $0x3;
	[sflag:s10] =	ssyncadd.s32 $0xFFFFF880  }
0x68: {  	_ =	swait.ge @!p0 [sflag:s9], $0xA000  }
0x69: {  	[sflag:s9] =	ssyncset.done @!p0 $0x0  }
0x6a: {  	s23 =	simm.s32 $0x2;
	[sflag:s9] =	ssyncadd.s32 @!p0 $0xFFFF6000  }
0x6b: {  	v24 =	vld [tilespmem:s23+$0x1];
	_ =	sdelay $0x4  }
0x6c: {  	(v2sf) =	vpush v24, $0x0;
	v24 =	vld [tilespmem:s23+$0xFFFFFFFE];
	_ =	sdelay $0x3  }
0x6d: {  	v25 =	vld [tilespmem:s23+$0xFFFFFFFF]  }
0x6e: {  	v7 =	vld [tilespmem:$0x1FF70];
	(v2sf) =	vpush v24, $0x0  }
0x6f: {  	v1 =	vld [tilespmem:$0x1FF40]  }
0x70: {  	v3 =	vld [tilespmem:$0x1FF50]  }
0x71: {  	v24 =	vld [tilespmem:s23+$0x0]  }
0x72: {  	s19 =	simm.s32 $0x0;
	v2 =	vld [tilespmem:$0x1FF60];
	(v2sf) =	vpush v25, $0x0  }
0x73: {  	s25 =	sand.u32 $0x1FC, s19;
	v0 =	vld [tilespmem:$0x1FF90]  }
0x74: {  	s20 =	simm.s32 $0x640;
	v35 =	vld.msk [tilespmem:s25+$0x780 ss:$0x0], $0xffff  }
0x75: {  	v26 =	vld.msk [tilespmem:s20+$0xFFFFFC40 ss:$0x0], $0xffff  }
0x76: {  	v27 =	vld.msk [tilespmem:s20+$0xFFFFFD83 ss:$0x0], $0xffff;
	(v2sf) =	vpush v24, $0x0  }
0x77: {  	v30 =	vld.msk [tilespmem:s20+$0xFFFFFC41 ss:$0x0], $0xffff  }
0x78: {  	v33 =	vld.msk [tilespmem:s20+$0xFFFFFC42 ss:$0x0], $0xffff  }
0x79: {  	v25 =	vld.msk [tilespmem:s20+$0xFFFFFC43 ss:$0x0], $0xffff  }
0x7a: {  	v29 =	vld.msk [tilespmem:s20+$0xFFFFFEC3 ss:$0x0], $0xffff  }
0x7b: {  	v32 =	vld.msk [tilespmem:s20+$0x3 ss:$0x0], $0xffff  }
0x7c: {  	v36 =	vld.msk [tilespmem:s20+$0x143 ss:$0x0], $0xffff;
	s15 =	spop (v2sf)  }
0x7d: {  	v40 =	vld.msk [tilespmem:s20+$0x283 ss:$0x0], $0xffff;
	v41 =	vmul.bf16 v26, v1;
	v49 =	vmul.bf16 v30, v1;
	s15 =	sshll.u32 s15, $0x8;
	s16 =	spop (v2sf)  }
0x7e: {  	v55 =	vmul.bf16 v33, v1;
	v39 =	vmul.bf16 v25, v1;
	v1 =	vld [tilespmem:$0x1FF80];
	s15 =	sshra.s32 s15, $0x2;
	s16 =	sshll.u32 s16, $0x8  }
0x7f: {  	v28 =	vld [tilespmem:s15+$0x151B0];
	s16 =	sshra.s32 s16, $0x2  }
0x80: {  	v38 =	vld [tilespmem:s16+$0x15180]  }
0x81: {  	v34 =	vmul.bf16 v35, v23;
	v31 =	vmul.bf16 v35, v62;
	s21 =	spop (v2sf);
	v42 =	vld [tilespmem:s16+$0x15190]  }
0x82: {  	v58 =	vmul.bf16 v27, v14;
	v43 =	vmul.bf16 v26, v3;
	s21 =	sshll.u32 s21, $0x8;
	v45 =	vld [tilespmem:s16+$0x151A0]  }
0x83: {  	v44 =	vmul.bf16 v26, v2;
	v37 =	vmul.bf16 v25, v7;
	s21 =	sshra.s32 s21, $0x2;
	v46 =	vld [tilespmem:s16+$0x151B0]  }
0x84: {  	v26 =	vmul.bf16 v26, v7;
	v59 =	vmul.bf16 v29, v18;
	v48 =	vld [tilespmem:s21+$0x15180]  }
0x85: {  	v60 =	vmul.bf16 v32, v22;
	v51 =	vmul.bf16 v30, v3;
	v28 =	vadd.bf16 v28, v37;
	v50 =	vld [tilespmem:s21+$0x15190];
	s29 =	spop (v2sf)  }
0x86: {  	v52 =	vmul.bf16 v30, v2;
	v30 =	vmul.bf16 v30, v7;
	v53 =	vld [tilespmem:s21+$0x151A0];
	s16 =	sshll.u32 s29, $0x8  }
0x87: {  	v61 =	vmul.bf16 v36, v0;
	v56 =	vmul.bf16 v33, v3;
	v54 =	vld [tilespmem:s21+$0x151B0];
	v28 =	vadd.bf16 v28, v58;
	s16 =	sshra.s32 s16, $0x2  }
0x88: {  	v24 =	vmul.bf16 v35, v63;
	v35 =	vmul.bf16 v35, v0;
	v57 =	vld [tilespmem:s16+$0x15180]  }
0x89: {  	v47 =	vmul.bf16 v25, v3;
	v28 =	vadd.bf16 v28, v59;
	v38 =	vadd.bf16 v38, v41;
	v41 =	vld [tilespmem:s15+$0x15180]  }
0x8a: {  	v25 =	vmul.bf16 v25, v2;
	v59 =	vmul.bf16 v40, v12;
	v46 =	vadd.bf16 v46, v26;
	v26 =	vld [tilespmem:s15+$0x151A0]  }
0x8b: {  	v42 =	vadd.bf16 v42, v43;
	v43 =	vmul.bf16 v33, v2;
	v58 =	vld [tilespmem:s16+$0x151A0];
	v28 =	vadd.bf16 v28, v60  }
0x8c: {  	v44 =	vadd.bf16 v45, v44;
	v33 =	vmul.bf16 v33, v7;
	v2 =	vld [tilespmem:s16+$0x151B0];
	v48 =	vadd.bf16 v48, v49  }
0x8d: {  	v60 =	vld [tilespmem:s15+$0x15190];
	v49 =	vadd.bf16 v50, v51;
	v51 =	vmul.bf16 v27, v11;
	v28 =	vadd.bf16 v28, v61  }
0x8e: {  	v52 =	vadd.bf16 v53, v52;
	v53 =	vmul.bf16 v29, v15;
	v54 =	vadd.bf16 v54, v30  }
0x8f: {  	v37 =	vadd.bf16 v28, v59;
	v28 =	vmul.bf16 v27, v1;
	v55 =	vadd.bf16 v57, v55  }
0x90: {  	v61 =	vld [tilespmem:s16+$0x15190];
	v57 =	vmul.bf16 v29, v16;
	v59 =	vmul.bf16 v29, v17;
	v29 =	vadd.bf16 v41, v39  }
0x91: {  	v27 =	vmul.bf16 v27, v13;
	v25 =	vadd.bf16 v26, v25;
	v43 =	vadd.bf16 v58, v43  }
0x92: {  	v45 =	vld.msk [tilespmem:s20+$0xFFFFFD80 ss:$0x0], $0xffff;
	v26 =	vmul.bf16 v32, v19;
	v39 =	vadd.bf16 v2, v33;
	v30 =	vadd.bf16 v60, v47  }
0x93: {  	v60 =	vmul.bf16 v32, v21;
	v47 =	vunpack.i.u.bf16.f32 v37;
	v41 =	vadd.bf16 v29, v28  }
0x94: {  	v29 =	vmul.bf16 v36, v62;
	v28 =	vmul.bf16 v36, v63;
	v27 =	vadd.bf16 v25, v27  }
0x95: {  	v25 =	vmul.bf16 v40, v4;
	v50 =	vadd.bf16 v61, v56;
	v61 =	vadd.bf16 v30, v51  }
0x96: {  	v56 =	vmul.bf16 v32, v20;
	v30 =	vmul.bf16 v36, v23;
	v36 =	vld.msk [tilespmem:s20+$0xFFFFFD81 ss:$0x0], $0xffff;
	v2 =	vadd.bf16 v41, v53  }
0x97: {  	v32 =	vadd.bf16 v61, v57;
	v57 =	vadd.bf16 v27, v59;
	v27 =	vmul.bf16 v45, v1  }
0x98: {  	v51 =	vld.msk [tilespmem:s20+$0xFFFFFD82 ss:$0x0], $0xffff;
	v61 =	vmul.bf16 v45, v11;
	v33 =	vadd.bf16 v2, v26;
	v2 =	vmul.bf16 v45, v13  }
0x99: {  	v26 =	vmul.bf16 v40, v5;
	v45 =	vmul.bf16 v45, v14;
	v32 =	vadd.bf16 v32, v56  }
0x9a: {  	v38 =	vadd.bf16 v38, v27;
	v41 =	vadd.bf16 v42, v61;
	v27 =	vmul.bf16 v40, v6  }
0x9b: {  	v56 =	vld.msk [tilespmem:s25+$0x500 ss:$0x0], $0xffff;
	v61 =	vmul.bf16 v36, v1;
	v44 =	vadd.bf16 v44, v2;
	v2 =	vmul.bf16 v36, v11  }
0x9c: {  	v45 =	vadd.bf16 v46, v45;
	v58 =	vmul.bf16 v36, v13;
	v36 =	vmul.bf16 v36, v14  }
0x9d: {  	v53 =	vld.msk [tilespmem:s20+$0xFFFFFEC2 ss:$0x0], $0xffff;
	v59 =	vmul.bf16 v51, v1;
	v1 =	vmul.bf16 v51, v13;
	v40 =	vadd.bf16 v48, v61  }
0x9e: {  	v48 =	vadd.bf16 v49, v2;
	v46 =	vadd.bf16 v52, v58;
	v61 =	vmul.bf16 v51, v11  }
0x9f: {  	v49 =	vld.msk [tilespmem:s20+$0xFFFFFEC1 ss:$0x0], $0xffff;
	v36 =	vadd.bf16 v54, v36;
	v42 =	vadd.bf16 v55, v59;
	v51 =	vmul.bf16 v51, v14  }
0xa0: {  	v43 =	vadd.bf16 v43, v1;
	v58 =	vunpack.i.l.bf16.f32 v37;
	v54 =	vmul.bf16 v56, v15  }
0xa1: {  	v52 =	vld.msk [tilespmem:s20+$0x0 ss:$0x0], $0xffff;
	v50 =	vadd.bf16 v50, v61;
	v2 =	vmul.bf16 v56, v16;
	v1 =	vmul.bf16 v56, v18  }
0xa2: {  	v37 =	vadd.bf16 v39, v51;
	v61 =	vmul.bf16 v56, v17;
	v56 =	vmul.bf16 v53, v17  }
0xa3: {  	v38 =	vadd.bf16 v38, v54;
	v45 =	vadd.bf16 v45, v1;
	v1 =	vmul.bf16 v53, v15  }
0xa4: {  	v41 =	vadd.bf16 v41, v2;
	v2 =	vmul.bf16 v49, v15;
	v59 =	vmul.bf16 v49, v16  }
0xa5: {  	v39 =	vadd.bf16 v44, v61;
	v61 =	vmul.bf16 v49, v17;
	v49 =	vmul.bf16 v49, v18  }
0xa6: {  	v42 =	vadd.bf16 v42, v1;
	v1 =	vmul.bf16 v52, v20;
	v44 =	vadd.bf16 v48, v59;
	v48 =	vld.msk [tilespmem:s20+$0x1 ss:$0x0], $0xffff  }
0xa7: {  	v40 =	vadd.bf16 v40, v2;
	v55 =	vadd.bf16 v46, v61;
	v2 =	vmul.bf16 v53, v16  }
0xa8: {  	v36 =	vadd.bf16 v36, v49;
	v59 =	vmul.bf16 v53, v18;
	v61 =	vmul.bf16 v52, v19  }
0xa9: {  	v49 =	vadd.bf16 v43, v56;
	v43 =	vld.msk [tilespmem:s20+$0x2 ss:$0x0], $0xffff;
	v50 =	vadd.bf16 v50, v2;
	v2 =	vmul.bf16 v52, v21  }
0xaa: {  	v37 =	vadd.bf16 v37, v59;
	v52 =	vmul.bf16 v52, v22;
	v56 =	vadd.bf16 v38, v61  }
0xab: {  	v59 =	vadd.bf16 v41, v1;
	v38 =	vld.msk [tilespmem:s20+$0x141 ss:$0x0], $0xffff;
	v51 =	vadd.bf16 v39, v2;
	v41 =	vmul.bf16 v48, v19  }
0xac: {  	v52 =	vadd.bf16 v45, v52;
	v61 =	vmul.bf16 v48, v20;
	v1 =	vmul.bf16 v48, v21  }
0xad: {  	v56 =	vadd.bf16 v56, v34;
	v2 =	vmul.bf16 v48, v22;
	v48 =	vadd.bf16 v40, v41  }
0xae: {  	v39 =	vmul.bf16 v43, v19;
	v46 =	vadd.bf16 v44, v61;
	v61 =	vld.msk [tilespmem:s20+$0x142 ss:$0x0], $0xffff;
	v45 =	vadd.bf16 v55, v1  }
0xaf: {  	v40 =	vmul.bf16 v43, v20;
	v44 =	vadd.bf16 v36, v2;
	v1 =	vmul.bf16 v43, v21  }
0xb0: {  	v2 =	vmul.bf16 v43, v22;
	v43 =	vadd.bf16 v42, v39;
	v55 =	vmul.bf16 v38, v23  }
0xb1: {  	v54 =	vmul.bf16 v38, v62;
	v53 =	vmul.bf16 v38, v63;
	v42 =	vadd.bf16 v50, v40  }
0xb2: {  	s21 =	simm.s32 $0x1280;
	v39 =	vld.msk [tilespmem:s20+$0x280 ss:$0x0], $0xffff;
	v41 =	vadd.bf16 v49, v1;
	v40 =	vadd.bf16 v37, v2;
	v50 =	vmul.bf16 v38, v0  }
0xb3: {  	[tilespmem:s21+$0xF0] =	vst v47;
	v36 =	vld.msk [tilespmem:s20+$0x282 ss:$0x0], $0xffff;
	v38 =	vadd.bf16 v57, v60;
	v49 =	vmul.bf16 v61, v23;
	v47 =	vmul.bf16 v61, v62  }
0xb4: {  	s22 =	simm.s32 $0x1280;
	s23 =	simm.s32 $0x6;
	[tilespmem:s21+$0xE0] =	vst v58;
	v37 =	vld.msk [tilespmem:s20+$0x281 ss:$0x0], $0xffff;
	v57 =	vadd.bf16 v59, v31;
	v34 =	vmul.bf16 v61, v63;
	v31 =	vmul.bf16 v61, v0  }
.LBB2_3:
0xb5: {  	v58 =	vld [tilespmem:s23+$0x1]  }
0xb6: {  	v1 =	vld [tilespmem:$0x1FFF0]  }
0xb7: {  	v24 =	vadd.bf16 v51, v24;
	v48 =	vadd.bf16 v48, v55  }
0xb8: {  	v46 =	vadd.bf16 v46, v54;
	v45 =	vadd.bf16 v45, v53  }
0xb9: {  	v59 =	vld [tilespmem:s23+$0xFFFFFFFE];
	v30 =	vadd.bf16 v33, v30;
	v51 =	vadd.bf16 v52, v35;
	v52 =	vmul.bf16 v39, v4  }
0xba: {  	v54 =	vld [tilespmem:s23+$0xFFFFFFFF];
	v29 =	vadd.bf16 v32, v29;
	v43 =	vadd.bf16 v43, v49;
	v60 =	vmul.bf16 v39, v5  }
0xbb: {  	v2 =	vmul.bf16 v39, v1;
	(v2sf) =	vpush v58, $0x0;
	v58 =	vadd.bf16 v56, v52  }
0xbc: {  	s19 =	sadd.s32 $0x4, s19;
	v42 =	vadd.bf16 v42, v47;
	v34 =	vadd.bf16 v41, v34;
	v55 =	vmul.bf16 v39, v6  }
0xbd: {  	s9 =	sand.u32 $0x1FC, s19;
	v0 =	vadd.bf16 v57, v60;
	v39 =	vadd.bf16 v51, v2;
	v2 =	vunpack.i.u.bf16.f32 v58  }
0xbe: {  	v35 =	vld.msk [tilespmem:s9+$0x780 ss:$0x0], $0xffff;
	v47 =	vmul.bf16 v37, v4;
	(v2sf) =	vpush v59, $0x0;
	v53 =	vunpack.i.l.bf16.f32 v58;
	[tilespmem:s21+$0xFFFFFF10] =	vst v2  }
0xbf: {  	v24 =	vadd.bf16 v24, v55;
	(v2sf) =	vpush v54, $0x0;
	v54 =	vunpack.i.u.bf16.f32 v0;
	[tilespmem:s21+$0xFFFFFF00] =	vst v53  }
0xc0: {  	v61 =	vld [tilespmem:s23+$0x0];
	v28 =	vadd.bf16 v38, v28;
	v41 =	vmul.bf16 v37, v5;
	v55 =	vunpack.i.l.bf16.f32 v0;
	[tilespmem:s21+$0xFFFFFF30] =	vst v54  }
0xc1: {  	v8 =	vld [tilespmem:$0x1FF70];
	v26 =	vadd.bf16 v29, v26;
	v47 =	vadd.bf16 v48, v47;
	v56 =	vunpack.i.u.bf16.f32 v24;
	[tilespmem:s21+$0xFFFFFF20] =	vst v55  }
0xc2: {  	v3 =	vld [tilespmem:$0x1FF50];
	v33 =	vmul.bf16 v37, v6;
	v41 =	vadd.bf16 v46, v41;
	v24 =	vunpack.i.l.bf16.f32 v24;
	[tilespmem:s21+$0xFFFFFF50] =	vst v56  }
0xc3: {  	s20 =	sadd.s32 $0x4, s20;
	v7 =	vld [tilespmem:$0x1FF90];
	v32 =	vmul.bf16 v37, v1;
	v37 =	vmul.bf16 v36, v4;
	v29 =	vunpack.i.u.bf16.f32 v47;
	[tilespmem:s21+$0xFFFFFF40] =	vst v24  }
0xc4: {  	v49 =	vld.msk [tilespmem:s20+$0xFFFFFEC3 ss:$0x0], $0xffff;
	v25 =	vadd.bf16 v30, v25;
	v38 =	vmul.bf16 v36, v5;
	v57 =	vunpack.i.l.bf16.f32 v41;
	[tilespmem:s21+$0xFFFFFF90] =	vst v29  }
0xc5: {  	v33 =	vadd.bf16 v45, v33;
	v45 =	vld.msk [tilespmem:s20+$0xFFFFFD83 ss:$0x0], $0xffff;
	v37 =	vadd.bf16 v43, v37;
	v30 =	vunpack.i.u.bf16.f32 v41;
	[tilespmem:s21+$0xFFFFFFA0] =	vst v57  }
0xc6: {  	v44 =	vadd.bf16 v44, v50;
	v27 =	vadd.bf16 v28, v27;
	v41 =	vld.msk [tilespmem:s20+$0xFFFFFC43 ss:$0x0], $0xffff;
	v28 =	vunpack.i.l.bf16.f32 v39;
	[tilespmem:s21+$0xFFFFFFB0] =	vst v30  }
0xc7: {  	v38 =	vadd.bf16 v42, v38;
	v0 =	vld [tilespmem:$0x1FF40];
	v42 =	vunpack.i.u.bf16.f32 v37;
	v37 =	vunpack.i.l.bf16.f32 v37;
	[tilespmem:s21+$0xFFFFFF60] =	vst v28  }
0xc8: {  	v40 =	vadd.bf16 v40, v31;
	(v2sf) =	vpush v61, $0x0;
	v55 =	vld.msk [tilespmem:s20+$0xFFFFFC42 ss:$0x0], $0xffff;
	[tilespmem:s21+$0x0] =	vst v37  }
0xc9: {  	v61 =	vmul.bf16 v36, v1;
	v29 =	vunpack.i.u.bf16.f32 v38;
	v38 =	vunpack.i.l.bf16.f32 v38;
	v2 =	vld [tilespmem:$0x1FF60];
	[tilespmem:s21+$0x10] =	vst v42  }
0xca: {  	v59 =	vmul.bf16 v36, v6;
	v56 =	vld.msk [tilespmem:s20+$0x143 ss:$0x0], $0xffff;
	[tilespmem:s21+$0x20] =	vst v38  }
0xcb: {  	v44 =	vadd.bf16 v44, v32;
	v24 =	vunpack.i.u.bf16.f32 v39;
	v36 =	vadd.bf16 v40, v61;
	v40 =	vld.msk [tilespmem:s20+$0x3 ss:$0x0], $0xffff;
	[tilespmem:s21+$0x30] =	vst v29  }
0xcc: {  	v31 =	vmul.bf16 v35, v23;
	v34 =	vadd.bf16 v34, v59;
	v28 =	vunpack.i.l.bf16.f32 v47;
	v32 =	vld.msk [tilespmem:s9+$0x500 ss:$0x0], $0xffff;
	[tilespmem:s21+$0xFFFFFF70] =	vst v24  }
0xcd: {  	v58 =	vunpack.i.u.bf16.f32 v33;
	v59 =	vunpack.i.u.bf16.f32 v44;
	v42 =	vld.msk [tilespmem:s20+$0x283 ss:$0x0], $0xffff;
	v24 =	vunpack.i.l.bf16.f32 v33;
	[tilespmem:s21+$0xFFFFFF80] =	vst v28;
	s25 =	spop (v2sf)  }
0xce: {  	v53 =	vmul.bf16 v49, v18;
	v39 =	vunpack.i.l.bf16.f32 v34;
	v28 =	vunpack.i.l.bf16.f32 v44;
	v43 =	vld.msk [tilespmem:s20+$0xFFFFFC40 ss:$0x0], $0xffff;
	[tilespmem:s21+$0xFFFFFFC0] =	vst v24;
	s9 =	sshll.u32 s25, $0x8;
	s15 =	spop (v2sf)  }
0xcf: {  	v44 =	vunpack.i.u.bf16.f32 v34;
	v34 =	vmul.bf16 v35, v62;
	v62 =	vmul.bf16 v45, v14;
	[tilespmem:s21+$0x40] =	vst v39;
	v51 =	vld.msk [tilespmem:s20+$0xFFFFFC41 ss:$0x0], $0xffff;
	s15 =	sshll.u32 s15, $0x8;
	s25 =	sshra.s32 s9, $0x2  }
0xd0: {  	v30 =	vunpack.i.u.bf16.f32 v25;
	v24 =	vmul.bf16 v35, v63;
	v35 =	vmul.bf16 v35, v7;
	[tilespmem:s21+$0xFFFFFFD0] =	vst v58;
	s16 =	sshra.s32 s15, $0x2;
	v60 =	vld [tilespmem:s25+$0x151B0]  }
0xd1: {  	v25 =	vunpack.i.l.bf16.f32 v25;
	v52 =	vmul.bf16 v41, v0;
	v61 =	vmul.bf16 v41, v8;
	[tilespmem:s21+$0xFFFFFFE0] =	vst v28;
	v37 =	vld [tilespmem:s16+$0x15180]  }
0xd2: {  	v48 =	vunpack.i.u.bf16.f32 v26;
	v57 =	vmul.bf16 v41, v3;
	v41 =	vmul.bf16 v41, v2;
	[tilespmem:s21+$0x80] =	vst v25;
	v38 =	vld [tilespmem:s16+$0x15190]  }
0xd3: {  	v26 =	vunpack.i.l.bf16.f32 v26;
	v63 =	vmul.bf16 v56, v7;
	v28 =	vmul.bf16 v43, v0;
	s29 =	spop (v2sf);
	[tilespmem:s21+$0x90] =	vst v30;
	v29 =	vld [tilespmem:s16+$0x151A0]  }
0xd4: {  	v50 =	vunpack.i.u.bf16.f32 v27;
	v54 =	vmul.bf16 v43, v3;
	v33 =	vmul.bf16 v43, v2;
	s9 =	sshll.u32 s29, $0x8;
	[tilespmem:s21+$0xA0] =	vst v26;
	v39 =	vld [tilespmem:s16+$0x151B0]  }
0xd5: {  	v46 =	vunpack.i.u.bf16.f32 v36;
	[tilespmem:s21+$0xFFFFFFF0] =	vst v59;
	v43 =	vmul.bf16 v43, v8;
	v58 =	vmul.bf16 v51, v0;
	s17 =	sshra.s32 s9, $0x2;
	v26 =	vld [tilespmem:s25+$0x15180]  }
0xd6: {  	[tilespmem:s21+$0x50] =	vst v44;
	v59 =	vmul.bf16 v51, v3;
	v44 =	vld [tilespmem:s17+$0x15180];
	v47 =	vadd.bf16 v60, v61;
	v60 =	vmul.bf16 v51, v2  }
0xd7: {  	v36 =	vunpack.i.l.bf16.f32 v36;
	v51 =	vmul.bf16 v51, v8;
	v61 =	vmul.bf16 v55, v0;
	v0 =	vld [tilespmem:s17+$0x151A0]  }
0xd8: {  	[tilespmem:s21+$0x60] =	vst v36;
	s29 =	spop (v2sf);
	v36 =	vadd.bf16 v37, v28;
	v28 =	vld [tilespmem:s17+$0x15190];
	v37 =	vmul.bf16 v55, v2;
	v47 =	vadd.bf16 v47, v62  }
0xd9: {  	v27 =	vunpack.i.l.bf16.f32 v27;
	s29 =	sshll.u32 s29, $0x8;
	v62 =	vmul.bf16 v55, v3;
	v55 =	vmul.bf16 v55, v8;
	v8 =	vld [tilespmem:$0x1FF80]  }
0xda: {  	[tilespmem:s21+$0x70] =	vst v46;
	s9 =	sshra.s32 s29, $0x2;
	v25 =	vld [tilespmem:s17+$0x151B0];
	v46 =	vadd.bf16 v38, v54;
	v47 =	vadd.bf16 v47, v53;
	v53 =	vmul.bf16 v40, v22  }
0xdb: {  	[tilespmem:s21+$0xB0] =	vst v48;
	v2 =	vmul.bf16 v42, v1;
	v54 =	vadd.bf16 v29, v33;
	v43 =	vadd.bf16 v39, v43;
	v29 =	vld [tilespmem:s9+$0x15180]  }
0xdc: {  	v39 =	vmul.bf16 v45, v13;
	v44 =	vadd.bf16 v44, v58;
	v58 =	vld [tilespmem:s25+$0x15190];
	[tilespmem:s22+$0xC0] =	vst v27;
	v47 =	vadd.bf16 v47, v53  }
0xdd: {  	v1 =	vmul.bf16 v40, v20;
	v48 =	vadd.bf16 v28, v59;
	v59 =	vadd.bf16 v0, v60;
	v60 =	vld [tilespmem:s25+$0x151A0]  }
0xde: {  	v52 =	vadd.bf16 v26, v52;
	v3 =	vld [tilespmem:$0x1FFA0];
	v33 =	vmul.bf16 v45, v8;
	v47 =	vadd.bf16 v47, v63  }
0xdf: {  	v38 =	vmul.bf16 v40, v21;
	v0 =	vmul.bf16 v40, v19;
	v40 =	vld [tilespmem:s9+$0x151A0]  }
0xe0: {  	v63 =	vmul.bf16 v45, v11;
	v33 =	vadd.bf16 v52, v33;
	v52 =	vld.msk [tilespmem:s20+$0xFFFFFD82 ss:$0x0], $0xffff;
	v45 =	vadd.bf16 v47, v2  }
0xe1: {  	v30 =	vmul.bf16 v56, v23;
	v26 =	vmul.bf16 v42, v5;
	v51 =	vadd.bf16 v25, v51;
	v2 =	vld [tilespmem:s9+$0x15190]  }
0xe2: {  	s21 =	sadd.s32 $0x200, s21;
	v25 =	vmul.bf16 v42, v4;
	v41 =	vadd.bf16 v60, v41;
	v60 =	vld.msk [tilespmem:s20+$0xFFFFFEC1 ss:$0x0], $0xffff;
	v28 =	vunpack.i.u.bf16.f32 v45  }
0xe3: {  	v27 =	vmul.bf16 v42, v6;
	v57 =	vadd.bf16 v58, v57;
	v58 =	vunpack.i.l.bf16.f32 v45;
	v45 =	vld.msk [tilespmem:s20+$0xFFFFFD81 ss:$0x0], $0xffff;
	[tilespmem:s21+$0xF0] =	vst v28  }
0xe4: {  	v47 =	vmul.bf16 v49, v15;
	[tilespmem:s22+$0xD0] =	vst v50;
	v50 =	vadd.bf16 v29, v61;
	v29 =	vmul.bf16 v56, v3;
	v3 =	vld [tilespmem:$0x1FFB0]  }
0xe5: {  	v42 =	vmul.bf16 v32, v15;
	v53 =	vmul.bf16 v49, v16;
	v57 =	vadd.bf16 v57, v63;
	v61 =	vld.msk [tilespmem:s20+$0xFFFFFD80 ss:$0x0], $0xffff  }
0xe6: {  	v49 =	vmul.bf16 v49, v17;
	v40 =	vadd.bf16 v40, v37;
	v33 =	vadd.bf16 v33, v47  }
0xe7: {  	v37 =	vadd.bf16 v41, v39;
	v6 =	vmul.bf16 v52, v11;
	v2 =	vadd.bf16 v2, v62  }
0xe8: {  	v41 =	vmul.bf16 v32, v17;
	v33 =	vadd.bf16 v33, v0;
	[tilespmem:s21+$0xE0] =	vst v58;
	v58 =	vmul.bf16 v32, v16  }
0xe9: {  	v62 =	vld.msk [tilespmem:s20+$0xFFFFFEC2 ss:$0x0], $0xffff;
	v4 =	vmul.bf16 v45, v13;
	v2 =	vadd.bf16 v2, v6;
	v6 =	vmul.bf16 v60, v18  }
0xea: {  	v49 =	vadd.bf16 v37, v49;
	v28 =	vmul.bf16 v56, v3;
	v56 =	vld [tilespmem:s9+$0x151B0];
	v0 =	vmul.bf16 v61, v13  }
0xeb: {  	v39 =	vmul.bf16 v61, v11;
	v3 =	vmul.bf16 v45, v11;
	v4 =	vadd.bf16 v59, v4  }
0xec: {  	v59 =	vmul.bf16 v60, v17;
	v0 =	vadd.bf16 v54, v0;
	v54 =	vmul.bf16 v52, v8  }
0xed: {  	v37 =	vmul.bf16 v61, v8;
	v46 =	vadd.bf16 v46, v39;
	v3 =	vadd.bf16 v48, v3  }
0xee: {  	v4 =	vadd.bf16 v4, v59;
	v50 =	vadd.bf16 v50, v54;
	v54 =	vmul.bf16 v62, v16  }
0xef: {  	v55 =	vadd.bf16 v56, v55;
	v56 =	vmul.bf16 v32, v18;
	v32 =	vadd.bf16 v57, v53  }
0xf0: {  	v48 =	vmul.bf16 v60, v15;
	v46 =	vadd.bf16 v46, v58;
	v0 =	vadd.bf16 v0, v41  }
0xf1: {  	v47 =	vld.msk [tilespmem:s20+$0x0 ss:$0x0], $0xffff;
	v57 =	vmul.bf16 v61, v14;
	v2 =	vadd.bf16 v2, v54;
	v32 =	vadd.bf16 v32, v1  }
0xf2: {  	v1 =	vadd.bf16 v36, v37;
	v36 =	vmul.bf16 v45, v8;
	v45 =	vmul.bf16 v45, v14  }
0xf3: {  	v53 =	vld.msk [tilespmem:s20+$0x1 ss:$0x0], $0xffff;
	v43 =	vadd.bf16 v43, v57;
	v57 =	vmul.bf16 v52, v13;
	v52 =	vmul.bf16 v52, v14  }
0xf4: {  	v44 =	vadd.bf16 v44, v36;
	v45 =	vadd.bf16 v51, v45;
	v51 =	vmul.bf16 v60, v16  }
0xf5: {  	v52 =	vadd.bf16 v55, v52;
	v1 =	vadd.bf16 v1, v42;
	v42 =	vmul.bf16 v62, v15  }
0xf6: {  	v55 =	vmul.bf16 v62, v17;
	v41 =	vadd.bf16 v43, v56;
	v43 =	vmul.bf16 v47, v19  }
0xf7: {  	v63 =	vld.msk [tilespmem:s20+$0x141 ss:$0x0], $0xffff;
	v40 =	vadd.bf16 v40, v57;
	v57 =	vmul.bf16 v62, v18;
	v56 =	vmul.bf16 v47, v20  }
0xf8: {  	v61 =	vld.msk [tilespmem:s20+$0x2 ss:$0x0], $0xffff;
	v3 =	vadd.bf16 v3, v51;
	v1 =	vadd.bf16 v1, v43;
	v43 =	vmul.bf16 v53, v20  }
0xf9: {  	v62 =	vld [tilespmem:$0x1FFA0];
	v60 =	vmul.bf16 v47, v21;
	v44 =	vadd.bf16 v44, v48;
	v6 =	vadd.bf16 v45, v6  }
0xfa: {  	v45 =	vmul.bf16 v47, v22;
	v58 =	vadd.bf16 v46, v56;
	v46 =	vadd.bf16 v3, v43;
	v3 =	vld [tilespmem:$0x1FFB0]  }
0xfb: {  	v42 =	vadd.bf16 v50, v42;
	v47 =	vmul.bf16 v53, v19;
	v40 =	vadd.bf16 v40, v55  }
0xfc: {  	v57 =	vadd.bf16 v52, v57;
	v50 =	vmul.bf16 v53, v21;
	v53 =	vmul.bf16 v53, v22  }
0xfd: {  	v5 =	vld.msk [tilespmem:s20+$0x142 ss:$0x0], $0xffff;
	v56 =	vmul.bf16 v61, v19;
	v55 =	vmul.bf16 v63, v23;
	v52 =	vadd.bf16 v41, v45  }
0xfe: {  	v39 =	vld.msk [tilespmem:s20+$0x280 ss:$0x0], $0xffff;
	v48 =	vadd.bf16 v44, v47;
	v45 =	vadd.bf16 v4, v50;
	v50 =	vmul.bf16 v63, v7  }
0xff: {  	p1 =	slt.u32 s19, $0x13C;
	v44 =	vadd.bf16 v6, v53;
	v54 =	vmul.bf16 v63, v62;
	v53 =	vmul.bf16 v63, v3;
	v63 =	vld [tilespmem:$0x1FFB0]  }
.Ltmp2:
0x100: {  	v37 =	vld.msk [tilespmem:s20+$0x281 ss:$0x0], $0xffff;
	v51 =	vadd.bf16 v0, v60;
	v0 =	vmul.bf16 v61, v20;
	v60 =	vmul.bf16 v61, v21;
	(pc) =	sbr.rel @p1 .LBB2_3-.Ltmp2, $4  }
0x101: {  	v38 =	vadd.bf16 v49, v38;
	v36 =	vld.msk [tilespmem:s20+$0x282 ss:$0x0], $0xffff;
	v47 =	vmul.bf16 v61, v22;
	v43 =	vadd.bf16 v42, v56  }
0x102: {  	v49 =	vmul.bf16 v5, v23;
	v4 =	vld [tilespmem:$0x1FFC0];
	v42 =	vadd.bf16 v2, v0;
	v41 =	vadd.bf16 v40, v60  }
0x103: {  	v6 =	vld [tilespmem:$0x1FFE0];
	v56 =	vadd.bf16 v1, v31;
	v31 =	vmul.bf16 v5, v7;
	v40 =	vadd.bf16 v57, v47  }
0x104: {  	s23 =	sadd.s32 $0x4, s23;
	s22 =	smov.u32 s21;
	v47 =	vmul.bf16 v5, v62;
	v57 =	vadd.bf16 v58, v34;
	v34 =	vmul.bf16 v5, v63;
	v5 =	vld [tilespmem:$0x1FFD0]  }
0x105: {  	_ =	sdelay $0x1  }
0x106: {  	v0 =	vmul.bf16 v39, v4;
	_ =	sdelay $0x1  }
0x107: {  	v2 =	vadd.bf16 v51, v24;
	v3 =	vmul.bf16 v39, v6;
	v0 =	vadd.bf16 v56, v0;
	_ =	sdelay $0x1  }
0x108: {  	v2 =	vadd.bf16 v2, v3;
	v60 =	vunpack.i.u.bf16.f32 v0  }
0x109: {  	v61 =	vadd.bf16 v52, v35;
	v59 =	vadd.bf16 v45, v53;
	[tilespmem:s21+$0xFFFFFF10] =	vst v60;
	v60 =	vmul.bf16 v37, v6  }
0x10a: {  	v1 =	vmul.bf16 v39, v5;
	v52 =	vunpack.i.u.bf16.f32 v2;
	v2 =	vunpack.i.l.bf16.f32 v2;
	v12 =	vld [tilespmem:$0x1FFF0]  }
0x10b: {  	v0 =	vunpack.i.l.bf16.f32 v0;
	[tilespmem:s21+$0xFFFFFF40] =	vst v2;
	v2 =	vadd.bf16 v59, v60  }
0x10c: {  	v1 =	vadd.bf16 v57, v1;
	v57 =	vmov v4;
	[tilespmem:s21+$0xFFFFFF00] =	vst v0  }
0x10d: {  	v48 =	vadd.bf16 v48, v55;
	v56 =	vmovc v5;
	v51 =	vmul.bf16 v37, v57;
	[tilespmem:s21+$0xFFFFFF50] =	vst v52;
	v45 =	vunpack.i.l.bf16.f32 v2  }
0x10e: {  	v54 =	vadd.bf16 v46, v54;
	v55 =	vmul.bf16 v37, v56;
	v2 =	vunpack.i.u.bf16.f32 v2;
	[tilespmem:s21+$0xFFFFFFC0] =	vst v45  }
0x10f: {  	v0 =	vadd.bf16 v48, v51;
	[tilespmem:s21+$0xFFFFFFD0] =	vst v2;
	v35 =	vmul.bf16 v39, v12;
	v39 =	vunpack.i.u.bf16.f32 v1  }
0x110: {  	v1 =	vunpack.i.l.bf16.f32 v1;
	[tilespmem:s21+$0xFFFFFF30] =	vst v39  }
0x111: {  	[tilespmem:s21+$0xFFFFFF20] =	vst v1;
	v1 =	vadd.bf16 v54, v55;
	v4 =	vadd.bf16 v61, v35;
	v61 =	vunpack.i.l.bf16.f32 v0  }
0x112: {  	v0 =	vunpack.i.u.bf16.f32 v0;
	[tilespmem:s21+$0xFFFFFF80] =	vst v61  }
0x113: {  	v52 =	vadd.bf16 v40, v31;
	v53 =	vmul.bf16 v36, v12;
	v39 =	vunpack.i.l.bf16.f32 v1;
	[tilespmem:s21+$0xFFFFFF90] =	vst v0  }
0x114: {  	v43 =	vadd.bf16 v43, v49;
	v35 =	vadd.bf16 v44, v50;
	v1 =	vunpack.i.u.bf16.f32 v1;
	[tilespmem:s21+$0xFFFFFFA0] =	vst v39  }
0x115: {  	v44 =	vmul.bf16 v36, v57;
	v59 =	vadd.bf16 v52, v53;
	v58 =	vunpack.i.l.bf16.f32 v4;
	[tilespmem:s21+$0xFFFFFFB0] =	vst v1  }
0x116: {  	v46 =	vadd.bf16 v42, v47;
	v49 =	vadd.bf16 v41, v34;
	v4 =	vunpack.i.u.bf16.f32 v4;
	[tilespmem:s21+$0xFFFFFF60] =	vst v58  }
0x117: {  	v47 =	vmul.bf16 v36, v56;
	v0 =	vadd.bf16 v43, v44;
	v34 =	vunpack.i.u.bf16.f32 v59;
	[tilespmem:s21+$0xFFFFFF70] =	vst v4  }
0x118: {  	v58 =	vadd.bf16 v33, v30;
	v33 =	vunpack.i.l.bf16.f32 v59;
	[tilespmem:s21+$0x70] =	vst v34  }
0x119: {  	v50 =	vmul.bf16 v36, v6;
	v1 =	vadd.bf16 v46, v47;
	v51 =	vunpack.i.l.bf16.f32 v0;
	[tilespmem:s21+$0x60] =	vst v33  }
0x11a: {  	v0 =	vunpack.i.u.bf16.f32 v0;
	[tilespmem:s21+$0x0] =	vst v51  }
0x11b: {  	v37 =	vmul.bf16 v37, v12;
	v2 =	vadd.bf16 v49, v50;
	v54 =	vunpack.i.l.bf16.f32 v1;
	[tilespmem:s21+$0x10] =	vst v0  }
0x11c: {  	v55 =	vunpack.i.u.bf16.f32 v1;
	[tilespmem:s21+$0x20] =	vst v54  }
0x11d: {  	v32 =	vadd.bf16 v32, v29;
	v4 =	vadd.bf16 v35, v37;
	v60 =	vunpack.i.l.bf16.f32 v2;
	[tilespmem:s21+$0x30] =	vst v55  }
0x11e: {  	v61 =	vunpack.i.u.bf16.f32 v2;
	[tilespmem:s21+$0x40] =	vst v60  }
0x11f: {  	v2 =	vadd.bf16 v32, v26;
	v48 =	vunpack.i.l.bf16.f32 v4;
	[tilespmem:s21+$0x50] =	vst v61  }
0x120: {  	v4 =	vunpack.i.u.bf16.f32 v4;
	[tilespmem:s21+$0xFFFFFFE0] =	vst v48  }
0x121: {  	v35 =	vadd.bf16 v38, v28;
	v1 =	vadd.bf16 v58, v25;
	[tilespmem:s21+$0xFFFFFFF0] =	vst v4;
	v39 =	vunpack.i.l.bf16.f32 v2  }
0x122: {  	v40 =	vunpack.i.u.bf16.f32 v2;
	[tilespmem:s21+$0xA0] =	vst v39  }
0x123: {  	s19 =	smul.u32 $0x280, s18;
	v38 =	vadd.bf16 v35, v27;
	v36 =	vunpack.i.l.bf16.f32 v1;
	[tilespmem:s21+$0xB0] =	vst v40  }
0x124: {  	v37 =	vunpack.i.u.bf16.f32 v1;
	[tilespmem:s21+$0x80] =	vst v36  }
0x125: {  	s9 =	sadd.s32 s7, s19;
	v41 =	vunpack.i.l.bf16.f32 v38;
	[tilespmem:s21+$0x90] =	vst v37  }
0x126: {  	s9 =	sshll.u32 s9, $0x4;
	v42 =	vunpack.i.u.bf16.f32 v38;
	[tilespmem:s22+$0xC0] =	vst v41  }
0x127: {  	p1 =	seq.s32 s18, $0x9;
	s9 =	sadd.s32 s6, s9;
	[tilespmem:s22+$0xD0] =	vst v42  }
0x128: {  	[hbm4b:s9+s8] =	stream.linear.scatter [tilespmem:s11], [sflag:$0x3], $0xA000, $0x38;
	[tilespmem:$0x15480] =	vst v63  }
0x129: {  	s9 =	sadd.s32 @!p1 s19, s24  }
0x12a: {  	s9 =	sshrl.u32 @!p1 s9, $0x3  }
0x12b: {  	s16 =	simm.s32 @!p1 $0x0;
	s15 =	sadd.s32 @!p1 s1, s9  }
0x12c: {  	[tilespmem:s16], [sflag:$0x1] =	stream.linear.gather @!p1 [hbm4b:s15+s16], $0x140, $0x38;
	[tilespmem:$0x15480] =	vst v63  }
0x12d: {  	s9 =	sadd.s32 @!p1 s2, s9;
	s15 =	simm.s32 @!p1 $0x280  }
0x12e: {  	[tilespmem:s15], [sflag:$0x1] =	stream.linear.gather @!p1 [hbm4b:s9+s16], $0x140, $0x38;
	[tilespmem:$0x15480] =	vst v63  }
0x12f: {  	s20 =	simm.s32 @!p1 $0x3C0;
	s15 =	sadd.s32 @!p1 $0x6400, s9  }
0x130: {  	[tilespmem:s20], [sflag:$0x1] =	stream.linear.gather @!p1 [hbm4b:s15+s16], $0x140, $0x38;
	[tilespmem:$0x15480] =	vst v63  }
0x131: {  	s15 =	sadd.s32 @!p1 $0xC800, s9;
	s20 =	simm.s32 @!p1 $0x500  }
0x132: {  	[tilespmem:s20], [sflag:$0x1] =	stream.linear.gather @!p1 [hbm4b:s15+s16], $0x140, $0x38;
	[tilespmem:$0x15480] =	vst v63  }
0x133: {  	s15 =	sadd.s32 @!p1 $0x12C00, s9;
	s20 =	simm.s32 @!p1 $0x640  }
0x134: {  	[tilespmem:s20], [sflag:$0x1] =	stream.linear.gather @!p1 [hbm4b:s15+s16], $0x140, $0x38;
	[tilespmem:$0x15480] =	vst v63  }
0x135: {  	s15 =	sadd.s32 @!p1 $0x19000, s9;
	s20 =	simm.s32 @!p1 $0x780  }
0x136: {  	[tilespmem:s20], [sflag:$0x1] =	stream.linear.gather @!p1 [hbm4b:s15+s16], $0x140, $0x38;
	[tilespmem:$0x15480] =	vst v63  }
0x137: {  	s9 =	sadd.s32 @!p1 $0x1F400, s9;
	s15 =	simm.s32 @!p1 $0x8C0  }
0x138: {  	[tilespmem:s15], [sflag:$0x1] =	stream.linear.gather @!p1 [hbm4b:s9+s16], $0x140, $0x38;
	[tilespmem:$0x15480] =	vst v63  }
0x139: {  	_ =	swait.ge [sflag:s12], $0x140  }
0x13a: {  	[sflag:s12] =	ssyncset.done $0x0  }
0x13b: {  	[sflag:s12] =	ssyncadd.s32 $0xFFFFFEC0  }
0x13c: {  	_ =	swait.ge [sflag:s12], $0x780  }
0x13d: {  	[sflag:s12] =	ssyncset.done $0x0  }
0x13e: {  	s9 =	simm.s32 @!p0 $0x4;
	[sflag:s12] =	ssyncadd.s32 $0xFFFFF880  }
0x13f: {  	_ =	swait.ge @!p0 [sflag:s9], $0xA000  }
0x140: {  	[sflag:s9] =	ssyncset.done @!p0 $0x0  }
0x141: {  	s20 =	simm.s32 $0x143;
	[sflag:s9] =	ssyncadd.s32 @!p0 $0xFFFF6000  }
0x142: {  	v43 =	vld [tilespmem:s20+$0x0]  }
0x143: {  	v44 =	vld [tilespmem:s20+$0xFFFFFFFD];
	_ =	sdelay $0x3  }
0x144: {  	v45 =	vld [tilespmem:s20+$0xFFFFFFFE];
	(v2sf) =	vpush v43, $0x0  }
0x145: {  	v7 =	vld [tilespmem:$0x1FF40];
	(v2sf) =	vpush v44, $0x0  }
0x146: {  	v8 =	vld [tilespmem:$0x1FF50]  }
0x147: {  	v10 =	vld [tilespmem:$0x1FF70]  }
0x148: {  	v46 =	vld [tilespmem:s20+$0xFFFFFFFF]  }
0x149: {  	s21 =	simm.s32 $0x0;
	v9 =	vld [tilespmem:$0x1FF60];
	(v2sf) =	vpush v45, $0x0  }
0x14a: {  	v24 =	vld [tilespmem:$0x1FF90];
	s9 =	sand.u32 $0x1FC, s21  }
0x14b: {  	s22 =	simm.s32 $0x1043;
	v35 =	vld.msk [tilespmem:s9+$0xF00 ss:$0x0], $0xffff  }
0x14c: {  	v48 =	vld.msk [tilespmem:s22+$0xFFFFF9C0 ss:$0x0], $0xffff  }
0x14d: {  	v49 =	vld.msk [tilespmem:s22+$0xFFFFF9BE ss:$0x0], $0xffff;
	(v2sf) =	vpush v46, $0x0  }
0x14e: {  	v3 =	vld.msk [tilespmem:s22+$0xFFFFFB00 ss:$0x0], $0xffff  }
0x14f: {  	s17 =	sor.u32 $0xA00, s9;
	v53 =	vld.msk [tilespmem:s22+$0xFFFFF9BF ss:$0x0], $0xffff  }
0x150: {  	v47 =	vld.msk [tilespmem:s17+$0x0 ss:$0x0], $0xffff  }
0x151: {  	v5 =	vld.msk [tilespmem:s22+$0xFFFFFC40 ss:$0x0], $0xffff  }
0x152: {  	v25 =	vld.msk [tilespmem:s22+$0xFFFFFD80 ss:$0x0], $0xffff  }
0x153: {  	v28 =	vld.msk [tilespmem:s22+$0xFFFFFEC0 ss:$0x0], $0xffff;
	s23 =	spop (v2sf)  }
0x154: {  	v33 =	vld.msk [tilespmem:s22+$0x0 ss:$0x0], $0xffff;
	v34 =	vmul.bf16 v48, v7;
	v37 =	vmul.bf16 v49, v7;
	s15 =	sshll.u32 s23, $0x8;
	s25 =	spop (v2sf)  }
0x155: {  	v54 =	vmul.bf16 v53, v7;
	v27 =	vmul.bf16 v47, v7;
	v7 =	vld [tilespmem:$0x1FF80];
	s15 =	sshra.s32 s15, $0x2;
	s16 =	sshll.u32 s25, $0x8  }
0x156: {  	v50 =	vld [tilespmem:s15+$0x151B0];
	s16 =	sshra.s32 s16, $0x2  }
0x157: {  	v26 =	vld [tilespmem:s16+$0x15180]  }
0x158: {  	v60 =	vmul.bf16 v35, v23;
	s23 =	spop (v2sf);
	v31 =	vld [tilespmem:s16+$0x15190]  }
0x159: {  	v30 =	vmul.bf16 v48, v10;
	v38 =	vmul.bf16 v49, v8;
	s23 =	sshll.u32 s23, $0x8;
	v36 =	vld [tilespmem:s16+$0x151A0]  }
0x15a: {  	v40 =	vmul.bf16 v49, v9;
	v2 =	vmul.bf16 v49, v10;
	s23 =	sshra.s32 s23, $0x2;
	v61 =	vld [tilespmem:s16+$0x151B0]  }
0x15b: {  	v42 =	vmul.bf16 v48, v8;
	v1 =	vmul.bf16 v48, v9;
	v41 =	vld [tilespmem:s23+$0x15180]  }
0x15c: {  	v55 =	vmul.bf16 v53, v8;
	v48 =	vmul.bf16 v53, v9;
	s29 =	spop (v2sf);
	v43 =	vld [tilespmem:s23+$0x15190]  }
0x15d: {  	v52 =	vmovc v6;
	v6 =	vmul.bf16 v53, v10;
	s16 =	sshll.u32 s29, $0x8;
	v58 =	vld [tilespmem:s23+$0x151B0];
	v4 =	vadd.bf16 v50, v30;
	v30 =	vmul.bf16 v3, v14  }
0x15e: {  	v29 =	vmul.bf16 v47, v8;
	v32 =	vmul.bf16 v47, v9;
	v44 =	vld [tilespmem:s23+$0x151A0];
	s16 =	sshra.s32 s16, $0x2  }
0x15f: {  	v0 =	vmul.bf16 v47, v10;
	v59 =	vld [tilespmem:s16+$0x15180];
	v4 =	vadd.bf16 v4, v30;
	v30 =	vmul.bf16 v5, v18  }
0x160: {  	v47 =	vmul.bf16 v25, v19;
	v10 =	vmul.bf16 v33, v52;
	v50 =	vadd.bf16 v26, v27;
	v27 =	vld [tilespmem:s16+$0x15190]  }
0x161: {  	v0 =	vadd.bf16 v61, v0;
	v61 =	vld [tilespmem:s15+$0x15190];
	v4 =	vadd.bf16 v4, v30;
	v30 =	vmul.bf16 v25, v22  }
0x162: {  	v26 =	vmul.bf16 v3, v7;
	v51 =	vadd.bf16 v31, v29;
	v2 =	vadd.bf16 v58, v2;
	v58 =	vld [tilespmem:s16+$0x151A0]  }
0x163: {  	v40 =	vadd.bf16 v44, v40;
	v44 =	vld.msk [tilespmem:s22+$0xFFFFFAFE ss:$0x0], $0xffff;
	v4 =	vadd.bf16 v4, v30;
	v30 =	vmul.bf16 v28, v24  }
0x164: {  	v29 =	vmul.bf16 v33, v12;
	v36 =	vadd.bf16 v36, v32;
	v45 =	vadd.bf16 v59, v54;
	v59 =	vld [tilespmem:s16+$0x151B0]  }
0x165: {  	v32 =	vmul.bf16 v3, v11;
	v3 =	vmul.bf16 v3, v13;
	v4 =	vadd.bf16 v4, v30;
	v30 =	vld [tilespmem:s15+$0x15180]  }
0x166: {  	v39 =	vld.msk [tilespmem:s22+$0xFFFFFC3E ss:$0x0], $0xffff;
	v31 =	vmul.bf16 v25, v21;
	v37 =	vadd.bf16 v41, v37;
	v46 =	vadd.bf16 v27, v55  }
0x167: {  	v41 =	vmul.bf16 v5, v15;
	v27 =	vadd.bf16 v61, v42;
	v4 =	vadd.bf16 v4, v29;
	v29 =	vld [tilespmem:s15+$0x151A0]  }
0x168: {  	v38 =	vadd.bf16 v43, v38;
	v43 =	vmul.bf16 v5, v16;
	v5 =	vmul.bf16 v5, v17  }
0x169: {  	v54 =	vmul.bf16 v25, v20;
	v42 =	vadd.bf16 v58, v48;
	v32 =	vadd.bf16 v27, v32  }
0x16a: {  	v6 =	vadd.bf16 v59, v6;
	v59 =	vmul.bf16 v44, v7;
	v25 =	vadd.bf16 v30, v34;
	v34 =	vld.msk [tilespmem:s22+$0xFFFFFAFD ss:$0x0], $0xffff  }
0x16b: {  	v48 =	vmul.bf16 v39, v16;
	v27 =	vmul.bf16 v33, v56;
	v58 =	vadd.bf16 v32, v43  }
0x16c: {  	v37 =	vadd.bf16 v37, v59;
	v55 =	vunpack.i.u.bf16.f32 v4;
	v1 =	vadd.bf16 v29, v1  }
0x16d: {  	v30 =	vmul.bf16 v28, v23;
	v61 =	vadd.bf16 v25, v26;
	v29 =	vmul.bf16 v28, v62  }
0x16e: {  	v28 =	vmul.bf16 v28, v63;
	v26 =	vmul.bf16 v33, v57;
	v1 =	vadd.bf16 v1, v3  }
0x16f: {  	v43 =	vld.msk [tilespmem:s22+$0xFFFFFAFF ss:$0x0], $0xffff;
	v49 =	vadd.bf16 v61, v41;
	v61 =	vmul.bf16 v44, v11;
	v52 =	vmul.bf16 v34, v7  }
0x170: {  	v4 =	vunpack.i.l.bf16.f32 v4;
	v53 =	vmul.bf16 v34, v11;
	v56 =	vmul.bf16 v34, v13  }
0x171: {  	v57 =	vmul.bf16 v34, v14;
	v33 =	vadd.bf16 v1, v5;
	v32 =	vadd.bf16 v49, v47  }
0x172: {  	v34 =	vmul.bf16 v35, v62;
	v38 =	vadd.bf16 v38, v61;
	v3 =	vadd.bf16 v50, v52  }
0x173: {  	v49 =	vmul.bf16 v44, v13;
	v41 =	vadd.bf16 v51, v53;
	v1 =	vadd.bf16 v36, v56  }
0x174: {  	v59 =	vld.msk [tilespmem:s22+$0xFFFFFC3F ss:$0x0], $0xffff;
	v0 =	vadd.bf16 v0, v57;
	v50 =	vmul.bf16 v44, v14;
	v51 =	vmul.bf16 v43, v7  }
0x175: {  	v52 =	vmul.bf16 v43, v11;
	v53 =	vmul.bf16 v43, v13;
	v5 =	vadd.bf16 v40, v49  }
0x176: {  	v47 =	vld.msk [tilespmem:s9+$0xC80 ss:$0x0], $0xffff;
	v43 =	vmul.bf16 v43, v14;
	v38 =	vadd.bf16 v38, v48;
	v2 =	vadd.bf16 v2, v50  }
0x177: {  	v7 =	vmul.bf16 v39, v15;
	v44 =	vadd.bf16 v45, v51;
	v40 =	vadd.bf16 v46, v52  }
0x178: {  	v36 =	vadd.bf16 v42, v53;
	v50 =	vmul.bf16 v39, v17;
	v39 =	vmul.bf16 v39, v18  }
0x179: {  	v6 =	vadd.bf16 v6, v43;
	v51 =	vmul.bf16 v59, v15;
	v52 =	vmul.bf16 v59, v16  }
0x17a: {  	v49 =	vld.msk [tilespmem:s22+$0xFFFFFD7D ss:$0x0], $0xffff;
	v37 =	vadd.bf16 v37, v7;
	v53 =	vmul.bf16 v59, v17;
	v42 =	vmul.bf16 v59, v18  }
0x17b: {  	v56 =	vmul.bf16 v47, v15;
	v57 =	vmul.bf16 v47, v16;
	v5 =	vadd.bf16 v5, v50  }
0x17c: {  	v45 =	vld.msk [tilespmem:s22+$0xFFFFFD7E ss:$0x0], $0xffff;
	v61 =	vmul.bf16 v47, v17;
	v2 =	vadd.bf16 v2, v39;
	v44 =	vadd.bf16 v44, v51  }
0x17d: {  	v47 =	vmul.bf16 v47, v18;
	v40 =	vadd.bf16 v40, v52;
	v36 =	vadd.bf16 v36, v53  }
0x17e: {  	v6 =	vadd.bf16 v6, v42;
	v39 =	vmul.bf16 v35, v63;
	v3 =	vadd.bf16 v3, v56  }
0x17f: {  	v41 =	vadd.bf16 v41, v57;
	v1 =	vadd.bf16 v1, v61;
	v56 =	vld.msk [tilespmem:s22+$0xFFFFFD7F ss:$0x0], $0xffff;
	v59 =	vmul.bf16 v49, v19  }
0x180: {  	v0 =	vadd.bf16 v0, v47;
	v61 =	vmul.bf16 v49, v20;
	v7 =	vmul.bf16 v49, v21  }
0x181: {  	v43 =	vmul.bf16 v49, v22;
	v47 =	vmul.bf16 v45, v19;
	v52 =	vadd.bf16 v3, v59  }
0x182: {  	v57 =	vmul.bf16 v45, v20;
	v51 =	vadd.bf16 v41, v61;
	v53 =	vadd.bf16 v1, v7  }
0x183: {  	v50 =	vadd.bf16 v0, v43;
	v0 =	vld.msk [tilespmem:s22+$0xFFFFFEBE ss:$0x0], $0xffff;
	v59 =	vmul.bf16 v45, v21;
	v61 =	vmul.bf16 v45, v22  }
0x184: {  	v49 =	vadd.bf16 v37, v47;
	v48 =	vadd.bf16 v38, v57;
	v7 =	vmul.bf16 v56, v19  }
0x185: {  	v47 =	vadd.bf16 v5, v59;
	v57 =	vmul.bf16 v56, v20;
	v59 =	vmul.bf16 v56, v21  }
0x186: {  	v41 =	vld.msk [tilespmem:s22+$0xFFFFFFFD ss:$0x0], $0xffff;
	v46 =	vadd.bf16 v2, v61;
	v61 =	vmul.bf16 v56, v22;
	v45 =	vadd.bf16 v44, v7  }
0x187: {  	s23 =	simm.s32 $0xB180;
	v37 =	vld.msk [tilespmem:s22+$0xFFFFFEBF ss:$0x0], $0xffff;
	v38 =	vmul.bf16 v35, v24;
	v44 =	vadd.bf16 v40, v57;
	v43 =	vadd.bf16 v36, v59  }
0x188: {  	[tilespmem:s23+$0x1F0] =	vst v55;
	v35 =	vld.msk [tilespmem:s22+$0xFFFFFFFF ss:$0x0], $0xffff;
	v57 =	vmul.bf16 v0, v23;
	v42 =	vadd.bf16 v6, v61;
	v56 =	vmul.bf16 v0, v62  }
0x189: {  	s25 =	simm.s32 $0xB180;
	[tilespmem:s23+$0x1E0] =	vst v4;
	v36 =	vld.msk [tilespmem:s22+$0xFFFFFFFE ss:$0x0], $0xffff;
	v40 =	vadd.bf16 v58, v54;
	v55 =	vmul.bf16 v0, v63;
	v54 =	vmul.bf16 v0, v24  }
.LBB2_5:
0x18a: {  	v6 =	vadd.bf16 v51, v34;
	v8 =	vld [tilespmem:$0x1FFC0]  }
0x18b: {  	v9 =	vld [tilespmem:$0x1FFD0];
	v30 =	vadd.bf16 v32, v30;
	v2 =	vadd.bf16 v33, v31  }
0x18c: {  	s21 =	sadd.s32 $0x4, s21;
	v25 =	vmov v10;
	v10 =	vld [tilespmem:$0x1FFE0];
	v31 =	vadd.bf16 v53, v39;
	v39 =	vadd.bf16 v49, v57  }
0x18d: {  	s9 =	sand.u32 $0x1FC, s21;
	v48 =	vadd.bf16 v48, v56;
	v47 =	vadd.bf16 v47, v55;
	v0 =	vmul.bf16 v37, v23  }
0x18e: {  	v46 =	vadd.bf16 v46, v54;
	v33 =	vld.msk [tilespmem:s9+$0xF00 ss:$0x0], $0xffff;
	v1 =	vmul.bf16 v37, v62;
	v4 =	vmul.bf16 v37, v63  }
0x18f: {  	v29 =	vadd.bf16 v40, v29;
	v5 =	vmul.bf16 v37, v24;
	v57 =	vmul.bf16 v36, v12  }
0x190: {  	s20 =	sadd.s32 $0x4, s20;
	v37 =	vadd.bf16 v50, v38;
	v34 =	vmul.bf16 v41, v8;
	v38 =	vmul.bf16 v41, v9  }
0x191: {  	v3 =	vadd.bf16 v52, v60;
	v24 =	vld [tilespmem:s20+$0x0];
	v50 =	vmul.bf16 v41, v10;
	v41 =	vmul.bf16 v41, v12  }
0x192: {  	v59 =	vld [tilespmem:s20+$0xFFFFFFFD];
	v2 =	vadd.bf16 v2, v28;
	v52 =	vmul.bf16 v36, v8;
	v55 =	vmul.bf16 v36, v9  }
0x193: {  	v56 =	vmul.bf16 v36, v10;
	v7 =	vmul.bf16 v33, v23;
	v3 =	vadd.bf16 v3, v34  }
0x194: {  	v58 =	vmul.bf16 v35, v8;
	v2 =	vadd.bf16 v2, v25;
	v0 =	vadd.bf16 v45, v0  }
0x195: {  	s15 =	sor.u32 $0xA00, s9;
	v60 =	vld [tilespmem:s20+$0xFFFFFFFE];
	v6 =	vadd.bf16 v6, v38;
	v31 =	vadd.bf16 v31, v50;
	[tilespmem:$0x1FF30] =	vst v7;
	v50 =	vunpack.i.u.bf16.f32 v3  }
0x196: {  	v4 =	vadd.bf16 v43, v4;
	v43 =	vld.msk [tilespmem:s15+$0x0 ss:$0x0], $0xffff;
	(v2sf) =	vpush v24, $0x0;
	v3 =	vunpack.i.l.bf16.f32 v3;
	[tilespmem:s23+$0x10] =	vst v50  }
0x197: {  	v1 =	vadd.bf16 v44, v1;
	v54 =	vunpack.i.u.bf16.f32 v6;
	(v2sf) =	vpush v59, $0x0;
	[tilespmem:s23+$0x0] =	vst v3  }
0x198: {  	s22 =	sadd.s32 $0x4, s22;
	v61 =	vld [tilespmem:s20+$0xFFFFFFFF];
	v36 =	vadd.bf16 v46, v57;
	v49 =	vadd.bf16 v37, v41;
	v6 =	vunpack.i.l.bf16.f32 v6;
	[tilespmem:s23+$0x30] =	vst v54  }
0x199: {  	v44 =	vld.msk [tilespmem:s22+$0xFFFFFC40 ss:$0x0], $0xffff;
	v51 =	vadd.bf16 v39, v52;
	v0 =	vadd.bf16 v0, v58;
	v57 =	vunpack.i.u.bf16.f32 v31;
	[tilespmem:s23+$0x20] =	vst v6  }
0x19a: {  	v46 =	vld.msk [tilespmem:s22+$0xFFFFF9BF ss:$0x0], $0xffff;
	v58 =	vadd.bf16 v30, v26;
	v26 =	vadd.bf16 v29, v27;
	v27 =	vunpack.i.l.bf16.f32 v31;
	[tilespmem:s23+$0x50] =	vst v57  }
0x19b: {  	v52 =	vadd.bf16 v48, v55;
	v39 =	vld.msk [tilespmem:s22+$0xFFFFFB00 ss:$0x0], $0xffff;
	v25 =	vunpack.i.l.bf16.f32 v49;
	[tilespmem:s23+$0x40] =	vst v27;
	(v2sf) =	vpush v60, $0x0  }
0x19c: {  	v5 =	vadd.bf16 v42, v5;
	v53 =	vadd.bf16 v47, v56;
	v7 =	vld [tilespmem:$0x1FF40];
	v29 =	vunpack.i.l.bf16.f32 v51;
	[tilespmem:s23+$0x60] =	vst v25  }
0x19d: {  	v34 =	vunpack.i.u.bf16.f32 v36;
	v30 =	vunpack.i.l.bf16.f32 v52;
	v24 =	vld [tilespmem:$0x1FF60];
	v27 =	vunpack.i.u.bf16.f32 v51;
	[tilespmem:s23+$0x80] =	vst v29  }
0x19e: {  	v31 =	vunpack.i.u.bf16.f32 v53;
	v38 =	vld.msk [tilespmem:s22+$0xFFFFF9BE ss:$0x0], $0xffff;
	[tilespmem:s23+$0x90] =	vst v27;
	(v2sf) =	vpush v61, $0x0;
	v61 =	vmul.bf16 v35, v12  }
0x19f: {  	v59 =	vmul.bf16 v35, v9;
	v25 =	vunpack.i.u.bf16.f32 v52;
	v54 =	vld [tilespmem:$0x1FF50];
	v60 =	vmul.bf16 v35, v10;
	[tilespmem:s23+$0xA0] =	vst v30  }
0x1a0: {  	v29 =	vunpack.i.u.bf16.f32 v0;
	v0 =	vunpack.i.l.bf16.f32 v0;
	v51 =	vld.msk [tilespmem:s22+$0xFFFFFEC0 ss:$0x0], $0xffff;
	[tilespmem:s23+$0xB0] =	vst v25;
	v56 =	vadd.bf16 v5, v61  }
0x1a1: {  	[tilespmem:s23+$0xD0] =	vst v31;
	v1 =	vadd.bf16 v1, v59;
	v55 =	vadd.bf16 v4, v60;
	v61 =	vunpack.i.l.bf16.f32 v36;
	v36 =	vld.msk [tilespmem:s22+$0xFFFFF9C0 ss:$0x0], $0xffff  }
0x1a2: {  	[tilespmem:s23+$0xF0] =	vst v34;
	v28 =	vmul.bf16 v43, v7;
	v30 =	vunpack.i.u.bf16.f32 v56;
	v4 =	vunpack.i.l.bf16.f32 v56;
	v56 =	vld [tilespmem:$0x1FF70]  }
0x1a3: {  	v32 =	vld.msk [tilespmem:s9+$0xC80 ss:$0x0], $0xffff;
	[tilespmem:s23+$0x100] =	vst v0;
	v59 =	vunpack.i.u.bf16.f32 v49;
	v45 =	vmul.bf16 v43, v24;
	v48 =	vmul.bf16 v46, v7  }
0x1a4: {  	v31 =	vld.msk [tilespmem:s22+$0xFFFFFD80 ss:$0x0], $0xffff;
	[tilespmem:s23+$0x110] =	vst v29;
	v27 =	vunpack.i.u.bf16.f32 v55;
	v3 =	vunpack.i.l.bf16.f32 v55;
	v55 =	vmul.bf16 v46, v24  }
0x1a5: {  	[tilespmem:s23+$0x70] =	vst v59;
	v60 =	vunpack.i.l.bf16.f32 v53;
	v53 =	vld.msk [tilespmem:s22+$0x0 ss:$0x0], $0xffff;
	v49 =	vmul.bf16 v38, v7;
	v34 =	vmul.bf16 v38, v24;
	s17 =	spop (v2sf)  }
0x1a6: {  	v37 =	vunpack.i.u.bf16.f32 v1;
	[tilespmem:s23+$0xC0] =	vst v60;
	v47 =	vmul.bf16 v36, v7;
	v52 =	vmul.bf16 v36, v54;
	v7 =	vld [tilespmem:$0x1FF80];
	s9 =	sshll.u32 s17, $0x8;
	s29 =	spop (v2sf)  }
0x1a7: {  	v1 =	vunpack.i.l.bf16.f32 v1;
	[tilespmem:s23+$0xE0] =	vst v61;
	v60 =	vmul.bf16 v36, v56;
	v36 =	vmul.bf16 v36, v24;
	v24 =	vld [tilespmem:$0x1FF90];
	s15 =	sshll.u32 s29, $0x8;
	s9 =	sshra.s32 s9, $0x2  }
0x1a8: {  	v40 =	vunpack.i.u.bf16.f32 v58;
	[tilespmem:s23+$0x120] =	vst v1;
	s29 =	sshra.s32 s15, $0x2;
	v41 =	vld [tilespmem:s9+$0x151B0]  }
0x1a9: {  	v6 =	vunpack.i.l.bf16.f32 v58;
	v57 =	vmul.bf16 v39, v14;
	v59 =	vmul.bf16 v44, v18;
	[tilespmem:s23+$0x130] =	vst v37;
	v61 =	vld [tilespmem:s29+$0x15180]  }
0x1aa: {  	v25 =	vunpack.i.u.bf16.f32 v26;
	v42 =	vmul.bf16 v43, v54;
	v50 =	vmul.bf16 v38, v54;
	[tilespmem:s23+$0x140] =	vst v3;
	s16 =	spop (v2sf);
	v58 =	vld [tilespmem:s29+$0x15190]  }
0x1ab: {  	v26 =	vunpack.i.l.bf16.f32 v26;
	[tilespmem:s23+$0x150] =	vst v27;
	v10 =	vmul.bf16 v53, v10;
	v54 =	vmul.bf16 v46, v54;
	s16 =	sshll.u32 s16, $0x8;
	v37 =	vld [tilespmem:s29+$0x151B0]  }
0x1ac: {  	v5 =	vunpack.i.u.bf16.f32 v2;
	[tilespmem:s23+$0x160] =	vst v4;
	v43 =	vmul.bf16 v43, v56;
	v38 =	vmul.bf16 v38, v56;
	s16 =	sshra.s32 s16, $0x2;
	v1 =	vld [tilespmem:s29+$0x151A0]  }
0x1ad: {  	v2 =	vunpack.i.l.bf16.f32 v2;
	[tilespmem:s23+$0x170] =	vst v30;
	v35 =	vmul.bf16 v46, v56;
	v56 =	vmul.bf16 v39, v13;
	s17 =	spop (v2sf);
	v27 =	vld [tilespmem:s16+$0x15190]  }
0x1ae: {  	v46 =	vmul.bf16 v39, v7;
	[tilespmem:s23+$0x190] =	vst v40;
	v40 =	vmul.bf16 v31, v20;
	s17 =	sshll.u32 s17, $0x8;
	v30 =	vld [tilespmem:s16+$0x151B0];
	v41 =	vadd.bf16 v41, v60  }
0x1af: {  	[tilespmem:s23+$0x1A0] =	vst v26;
	v26 =	vmul.bf16 v53, v8;
	s15 =	sshra.s32 s17, $0x2;
	v60 =	vmul.bf16 v31, v22;
	v3 =	vadd.bf16 v61, v28;
	v28 =	vld [tilespmem:s16+$0x15180]  }
0x1b0: {  	[tilespmem:s23+$0x180] =	vst v6;
	v61 =	vmul.bf16 v51, v24;
	v6 =	vadd.bf16 v37, v43;
	v37 =	vld [tilespmem:s15+$0x15180];
	v29 =	vadd.bf16 v41, v57  }
0x1b1: {  	v0 =	vadd.bf16 v58, v42;
	v42 =	vmul.bf16 v39, v11;
	v43 =	vmul.bf16 v44, v16;
	v57 =	vld [tilespmem:s9+$0x15180]  }
0x1b2: {  	v58 =	vmul.bf16 v31, v19;
	v31 =	vmul.bf16 v31, v21;
	v24 =	vld [tilespmem:$0x1FF90];
	[tilespmem:s23+$0x1B0] =	vst v25;
	v29 =	vadd.bf16 v29, v59  }
0x1b3: {  	v1 =	vadd.bf16 v1, v45;
	v41 =	vmul.bf16 v44, v15;
	v44 =	vmul.bf16 v44, v17;
	v59 =	vld [tilespmem:s9+$0x15190]  }
0x1b4: {  	v50 =	vadd.bf16 v27, v50;
	v27 =	vmul.bf16 v53, v9;
	v29 =	vadd.bf16 v29, v60;
	v60 =	vld [tilespmem:s16+$0x151A0]  }
0x1b5: {  	[tilespmem:s25+$0x1C0] =	vst v2;
	v2 =	vadd.bf16 v30, v38;
	v30 =	vmul.bf16 v51, v23;
	v45 =	vadd.bf16 v28, v49;
	v49 =	vld [tilespmem:s15+$0x15190]  }
0x1b6: {  	v47 =	vadd.bf16 v57, v47;
	v29 =	vadd.bf16 v29, v61;
	v61 =	vmul.bf16 v53, v12  }
0x1b7: {  	v48 =	vadd.bf16 v37, v48;
	v28 =	vmul.bf16 v51, v63;
	v37 =	vld.msk [tilespmem:s22+$0xFFFFFAFD ss:$0x0], $0xffff;
	v38 =	vmul.bf16 v33, v24  }
0x1b8: {  	v46 =	vadd.bf16 v47, v46;
	v47 =	vmul.bf16 v32, v16;
	v39 =	vadd.bf16 v29, v61  }
0x1b9: {  	v53 =	vld.msk [tilespmem:s22+$0xFFFFFAFE ss:$0x0], $0xffff;
	v29 =	vmul.bf16 v51, v62;
	v51 =	vmul.bf16 v32, v15;
	v4 =	vadd.bf16 v60, v34  }
0x1ba: {  	v61 =	vld [tilespmem:s15+$0x151A0];
	v49 =	vadd.bf16 v49, v54;
	v34 =	vmul.bf16 v33, v62;
	v62 =	vadd.bf16 v59, v52  }
0x1bb: {  	v60 =	vld [tilespmem:s9+$0x151A0];
	v59 =	vmul.bf16 v32, v18;
	v25 =	vunpack.i.u.bf16.f32 v39;
	v57 =	vunpack.i.l.bf16.f32 v39  }
0x1bc: {  	v52 =	vld.msk [tilespmem:s22+$0xFFFFFAFF ss:$0x0], $0xffff;
	v39 =	vmul.bf16 v33, v63;
	v63 =	vmul.bf16 v37, v7;
	v33 =	vadd.bf16 v62, v42  }
0x1bd: {  	v42 =	vmul.bf16 v32, v17;
	v32 =	vadd.bf16 v46, v41;
	v41 =	vmul.bf16 v37, v11  }
0x1be: {  	v54 =	vld.msk [tilespmem:s22+$0xFFFFFC3E ss:$0x0], $0xffff;
	v62 =	vmul.bf16 v53, v11;
	v3 =	vadd.bf16 v3, v63;
	v63 =	vmul.bf16 v53, v13  }
0x1bf: {  	s23 =	sadd.s32 $0x200, s23;
	v55 =	vadd.bf16 v61, v55;
	v32 =	vadd.bf16 v32, v58;
	v61 =	vmul.bf16 v53, v7  }
0x1c0: {  	[tilespmem:s23+$0x1F0] =	vst v25;
	v0 =	vadd.bf16 v0, v41;
	v53 =	vmul.bf16 v53, v14;
	v50 =	vadd.bf16 v50, v62  }
0x1c1: {  	[tilespmem:s25+$0x1D0] =	vst v5;
	v5 =	vld [tilespmem:s15+$0x151B0];
	v36 =	vadd.bf16 v60, v36;
	v60 =	vadd.bf16 v33, v43;
	v7 =	vmul.bf16 v52, v7  }
0x1c2: {  	[tilespmem:s23+$0x1E0] =	vst v57;
	v57 =	vld.msk [tilespmem:s22+$0xFFFFFC3F ss:$0x0], $0xffff;
	v8 =	vmul.bf16 v52, v11;
	v4 =	vadd.bf16 v4, v63;
	v3 =	vadd.bf16 v3, v51  }
0x1c3: {  	v62 =	vmul.bf16 v54, v17;
	v45 =	vadd.bf16 v45, v61;
	v2 =	vadd.bf16 v2, v53  }
0x1c4: {  	v61 =	vmul.bf16 v54, v15;
	v0 =	vadd.bf16 v0, v47;
	v7 =	vadd.bf16 v48, v7  }
0x1c5: {  	v43 =	vld.msk [tilespmem:s22+$0xFFFFFD7E ss:$0x0], $0xffff;
	v53 =	vmul.bf16 v54, v16;
	v8 =	vadd.bf16 v49, v8;
	v4 =	vadd.bf16 v4, v62  }
0x1c6: {  	v48 =	vmul.bf16 v54, v18;
	v40 =	vadd.bf16 v60, v40;
	v5 =	vadd.bf16 v5, v35  }
0x1c7: {  	v46 =	vld.msk [tilespmem:s22+$0xFFFFFD7F ss:$0x0], $0xffff;
	v35 =	vadd.bf16 v36, v56;
	v45 =	vadd.bf16 v45, v61;
	v49 =	vmul.bf16 v57, v15  }
0x1c8: {  	v56 =	vld.msk [tilespmem:s22+$0xFFFFFD7D ss:$0x0], $0xffff;
	v51 =	vmul.bf16 v57, v16;
	v47 =	vmul.bf16 v57, v17;
	v2 =	vadd.bf16 v2, v48  }
0x1c9: {  	v33 =	vadd.bf16 v35, v44;
	v35 =	vmul.bf16 v37, v13;
	v44 =	vmul.bf16 v37, v14  }
0x1ca: {  	v58 =	vld.msk [tilespmem:s22+$0xFFFFFEBE ss:$0x0], $0xffff;
	v61 =	vmul.bf16 v43, v19;
	v7 =	vadd.bf16 v7, v49;
	v8 =	vadd.bf16 v8, v51  }
0x1cb: {  	v62 =	vld [tilespmem:$0x1FFA0];
	v1 =	vadd.bf16 v1, v35;
	v6 =	vadd.bf16 v6, v44;
	v44 =	vmul.bf16 v52, v13  }
0x1cc: {  	v52 =	vmul.bf16 v52, v14;
	v49 =	vadd.bf16 v45, v61;
	v61 =	vmul.bf16 v46, v22  }
0x1cd: {  	v54 =	vmul.bf16 v56, v20;
	v48 =	vmul.bf16 v56, v22;
	v44 =	vadd.bf16 v55, v44  }
0x1ce: {  	v5 =	vadd.bf16 v5, v52;
	v52 =	vmul.bf16 v57, v18;
	v1 =	vadd.bf16 v1, v42  }
0x1cf: {  	v42 =	vmul.bf16 v56, v19;
	v55 =	vadd.bf16 v50, v53;
	v50 =	vmul.bf16 v56, v21  }
0x1d0: {  	v6 =	vadd.bf16 v6, v59;
	v57 =	vmul.bf16 v43, v21;
	v56 =	vmul.bf16 v58, v62  }
0x1d1: {  	v63 =	vld [tilespmem:$0x1FFB0];
	v51 =	vadd.bf16 v0, v54;
	v0 =	vmul.bf16 v43, v22;
	v59 =	vadd.bf16 v44, v47  }
0x1d2: {  	p0 =	slt.u32 s21, $0x13C;
	v24 =	vld [tilespmem:$0x1FF90];
	v54 =	vmul.bf16 v46, v21;
	v5 =	vadd.bf16 v5, v52;
	v52 =	vadd.bf16 v3, v42  }
.Ltmp3:
0x1d3: {  	v41 =	vld.msk [tilespmem:s22+$0xFFFFFFFD ss:$0x0], $0xffff;
	v47 =	vmul.bf16 v43, v20;
	v43 =	vmul.bf16 v46, v19;
	v53 =	vadd.bf16 v1, v50;
	(pc) =	sbr.rel @p0 .LBB2_5-.Ltmp3, $4  }
0x1d4: {  	v60 =	vld [tilespmem:$0x1FF30];
	v1 =	vmul.bf16 v46, v20;
	v50 =	vadd.bf16 v6, v48;
	v46 =	vadd.bf16 v2, v0  }
0x1d5: {  	v36 =	vld.msk [tilespmem:s22+$0xFFFFFFFE ss:$0x0], $0xffff;
	v48 =	vadd.bf16 v55, v47;
	v47 =	vadd.bf16 v4, v57;
	v57 =	vmul.bf16 v58, v23  }
0x1d6: {  	v37 =	vld.msk [tilespmem:s22+$0xFFFFFEBF ss:$0x0], $0xffff;
	v45 =	vadd.bf16 v7, v43;
	v55 =	vmul.bf16 v58, v63;
	v44 =	vadd.bf16 v8, v1  }
0x1d7: {  	s25 =	smov.u32 s23;
	v35 =	vld.msk [tilespmem:s22+$0xFFFFFFFF ss:$0x0], $0xffff;
	v43 =	vadd.bf16 v59, v54;
	v54 =	vmul.bf16 v58, v24;
	v42 =	vadd.bf16 v5, v61  }
0x1d8: {  	v8 =	vld [tilespmem:$0x1FFC0];
	_ =	sdelay $0x1  }
0x1d9: {  	v7 =	vld [tilespmem:$0x1FFD0];
	_ =	sdelay $0x1  }
0x1da: {  	v9 =	vld [tilespmem:$0x1FFE0]  }
0x1db: {  	v0 =	vadd.bf16 v52, v60;
	v1 =	vmul.bf16 v41, v8;
	_ =	sdelay $0x1  }
0x1dc: {  	v2 =	vadd.bf16 v51, v34;
	v3 =	vmul.bf16 v41, v7;
	v0 =	vadd.bf16 v0, v1  }
0x1dd: {  	v25 =	vadd.bf16 v53, v39  }
0x1de: {  	v4 =	vmul.bf16 v41, v9;
	v2 =	vadd.bf16 v2, v3;
	v34 =	vunpack.i.u.bf16.f32 v0  }
0x1df: {  	v5 =	vadd.bf16 v50, v38;
	v0 =	vunpack.i.l.bf16.f32 v0;
	[tilespmem:s23+$0x10] =	vst v34  }
0x1e0: {  	v39 =	vmul.bf16 v41, v12;
	v1 =	vadd.bf16 v25, v4;
	v41 =	vunpack.i.u.bf16.f32 v2;
	[tilespmem:s23+$0x0] =	vst v0  }
0x1e1: {  	v6 =	vadd.bf16 v46, v54;
	v2 =	vunpack.i.l.bf16.f32 v2;
	[tilespmem:s23+$0x30] =	vst v41  }
0x1e2: {  	v3 =	vadd.bf16 v5, v39;
	v25 =	vmul.bf16 v36, v12;
	v52 =	vunpack.i.u.bf16.f32 v1;
	[tilespmem:s23+$0x20] =	vst v2  }
0x1e3: {  	v50 =	vadd.bf16 v49, v57;
	v1 =	vunpack.i.l.bf16.f32 v1;
	[tilespmem:s23+$0x50] =	vst v52  }
0x1e4: {  	v51 =	vmul.bf16 v36, v8;
	v57 =	vunpack.i.l.bf16.f32 v3;
	v5 =	vadd.bf16 v6, v25;
	[tilespmem:s23+$0x40] =	vst v1  }
0x1e5: {  	v53 =	vadd.bf16 v48, v56;
	v3 =	vunpack.i.u.bf16.f32 v3;
	[tilespmem:s23+$0x60] =	vst v57  }
0x1e6: {  	v56 =	vmul.bf16 v36, v7;
	v0 =	vadd.bf16 v50, v51;
	[tilespmem:s23+$0x70] =	vst v3;
	v46 =	vunpack.i.l.bf16.f32 v5  }
0x1e7: {  	v58 =	vadd.bf16 v47, v55;
	v5 =	vunpack.i.u.bf16.f32 v5;
	[tilespmem:s23+$0xE0] =	vst v46  }
0x1e8: {  	v59 =	vmul.bf16 v36, v9;
	v2 =	vadd.bf16 v53, v56;
	v60 =	vunpack.i.l.bf16.f32 v0;
	[tilespmem:s23+$0xF0] =	vst v5  }
0x1e9: {  	v55 =	vadd.bf16 v40, v29;
	v0 =	vunpack.i.u.bf16.f32 v0;
	[tilespmem:s23+$0x80] =	vst v60  }
0x1ea: {  	v61 =	vmul.bf16 v37, v23;
	v1 =	vadd.bf16 v58, v59;
	v34 =	vunpack.i.l.bf16.f32 v2;
	[tilespmem:s23+$0x90] =	vst v0  }
0x1eb: {  	v38 =	vmul.bf16 v35, v8;
	v36 =	vmul.bf16 v37, v62;
	v2 =	vunpack.i.u.bf16.f32 v2;
	[tilespmem:s23+$0xA0] =	vst v34  }
0x1ec: {  	v3 =	vadd.bf16 v45, v61;
	v56 =	vadd.bf16 v55, v27;
	v39 =	vunpack.i.l.bf16.f32 v1;
	[tilespmem:s23+$0xB0] =	vst v2  }
0x1ed: {  	v41 =	vmul.bf16 v37, v63;
	v45 =	vmul.bf16 v35, v7;
	v1 =	vunpack.i.u.bf16.f32 v1;
	[tilespmem:s23+$0xC0] =	vst v39  }
0x1ee: {  	v3 =	vadd.bf16 v3, v38;
	v59 =	vunpack.i.l.bf16.f32 v56;
	v0 =	vadd.bf16 v44, v36;
	[tilespmem:s23+$0xD0] =	vst v1  }
0x1ef: {  	v47 =	vmul.bf16 v37, v24;
	v48 =	vmul.bf16 v35, v9;
	v60 =	vunpack.i.u.bf16.f32 v56;
	[tilespmem:s23+$0x1A0] =	vst v59  }
0x1f0: {  	v2 =	vadd.bf16 v43, v41;
	v49 =	vunpack.i.l.bf16.f32 v3;
	[tilespmem:s23+$0x1B0] =	vst v60;
	v0 =	vadd.bf16 v0, v45  }
0x1f1: {  	v50 =	vmul.bf16 v35, v12;
	v3 =	vunpack.i.u.bf16.f32 v3;
	[tilespmem:s23+$0x100] =	vst v49  }
0x1f2: {  	v1 =	vadd.bf16 v42, v47;
	v2 =	vadd.bf16 v2, v48;
	[tilespmem:s23+$0x110] =	vst v3;
	v51 =	vunpack.i.l.bf16.f32 v0  }
0x1f3: {  	v54 =	vadd.bf16 v33, v31;
	v0 =	vunpack.i.u.bf16.f32 v0;
	[tilespmem:s23+$0x120] =	vst v51  }
0x1f4: {  	v52 =	vadd.bf16 v32, v30;
	v1 =	vadd.bf16 v1, v50;
	v53 =	vunpack.i.l.bf16.f32 v2;
	[tilespmem:s23+$0x130] =	vst v0  }
0x1f5: {  	v2 =	vunpack.i.u.bf16.f32 v2;
	[tilespmem:s23+$0x140] =	vst v53  }
0x1f6: {  	v3 =	vadd.bf16 v52, v26;
	v5 =	vunpack.i.l.bf16.f32 v1;
	[tilespmem:s23+$0x150] =	vst v2;
	v0 =	vadd.bf16 v54, v28  }
0x1f7: {  	v1 =	vunpack.i.u.bf16.f32 v1;
	[tilespmem:s23+$0x160] =	vst v5  }
0x1f8: {  	v57 =	vunpack.i.l.bf16.f32 v3;
	[tilespmem:s23+$0x170] =	vst v1;
	v0 =	vadd.bf16 v0, v10  }
.Ltmp4:
0x1f9: {  	s9 =	sadd.s32 s19, s14;
	v58 =	vunpack.i.u.bf16.f32 v3;
	[tilespmem:s23+$0x180] =	vst v57;
	(pc) =	sbr.rel @p1 .LBB2_8-.Ltmp4, $4  }
0x1fa: {  	s9 =	sshll.u32 s9, $0x4;
	[tilespmem:s23+$0x190] =	vst v58;
	v61 =	vunpack.i.l.bf16.f32 v0  }
0x1fb: {  	s9 =	sand.u32 $0x1FFFFC00, s9;
	v0 =	vunpack.i.u.bf16.f32 v0;
	[tilespmem:s25+$0x1C0] =	vst v61  }
0x1fc: {  	s9 =	sadd.s32 s6, s9;
	[tilespmem:s25+$0x1D0] =	vst v0  }
0x1fd: {  	[hbm4b:s9+s8] =	stream.linear.scatter [tilespmem:s13], [sflag:$0x4], $0xA000, $0x38;
	[tilespmem:$0x15480] =	vst v63  }
0x1fe: {  	s9 =	sadd.s32 s19, s26  }
0x1ff: {  	s9 =	sshrl.u32 s9, $0x3  }
0x200: {  	s15 =	sadd.s32 s1, s9  }
0x201: {  	[tilespmem:s30], [sflag:$0x2] =	stream.linear.gather [hbm4b:s15+s8], $0x140, $0x38;
	[tilespmem:$0x15480] =	vst v63  }
0x202: {  	s9 =	sadd.s32 s2, s9  }
0x203: {  	[tilespmem:s31], [sflag:$0x2] =	stream.linear.gather [hbm4b:s9+s8], $0x140, $0x38;
	[tilespmem:$0x15480] =	vst v63  }
0x204: {  	s22 =	sadd.s32 $0x6400, s9  }
0x205: {  	[tilespmem:s4], [sflag:$0x2] =	stream.linear.gather [hbm4b:s22+s8], $0x140, $0x38;
	[tilespmem:$0x15480] =	vst v63  }
0x206: {  	s23 =	sadd.s32 $0xC800, s9  }
0x207: {  	[tilespmem:s0], [sflag:$0x2] =	stream.linear.gather [hbm4b:s23+s8], $0x140, $0x38;
	[tilespmem:$0x15480] =	vst v63  }
0x208: {  	s25 =	sadd.s32 $0x12C00, s9  }
0x209: {  	[tilespmem:s3], [sflag:$0x2] =	stream.linear.gather [hbm4b:s25+s8], $0x140, $0x38;
	[tilespmem:$0x15480] =	vst v63  }
.Ltmp5:
0x20a: {  	_ = 	snop;
	(pc) =	sbr.rel .LBB2_2-.Ltmp5, $4  }
0x20b: {  	s29 =	sadd.s32 $0x19000, s9  }
0x20c: {  	v4 =	vld [tilespmem:$0x1FFC0];
	[tilespmem:s5], [sflag:$0x2] =	stream.linear.gather [hbm4b:s29+s8], $0x140, $0x38  }
0x20d: {  	s18 =	sadd.s32 $0x1, s18;
	v5 =	vld [tilespmem:$0x1FFD0];
	s9 =	sadd.s32 $0x1F400, s9  }
0x20e: {  	v6 =	vld [tilespmem:$0x1FFE0];
	[tilespmem:s28], [sflag:$0x2] =	stream.linear.gather [hbm4b:s9+s8], $0x140, $0x38  }
.LBB2_9:
0x20f: {  	_ =	sfence.sel $0x180000  }
0x210: {  	[bflag:$0x0] =	sbarrier.arrive $0xFFFF  }
0x211: {  	_ =	strace $0x90000047  }
0x212: {  	s0 =	stileid.u32;
	[bflag:$0x2] =	sbarrier.arrive $0xFFFF  }
0x213: {  	p0 =	sne.s32 s0, $0x0;
	s0 =	rddreg [dreg:$0x5]  }
0x214: {  	s0 =	sadd.s32 @!p0 $0x100000, s0  }
0x215: {  	[sflag:s0] =	ssyncadd.tile.s32 @!p0 $0x1;
	_ =	shalt  }
.Lfunc_end2:
_tile_overlayer_lowered:
.L_overlay_start_2:
0x216: {  	(tag) =	ssettag $0x2  }
0x217: {  	s0 =	rddreg [dreg:$0x0];
	s2 =	stileid.u32  }
0x218: {  	s1 =	rddreg [dreg:$0x1];
	p0 =	sne.s32 s2, $0x0  }
0x219: {  	s3 =	rddreg [dreg:$0x2];
	[bflag:$0x3] =	sbarrier.arrive $0xFFFF;
	s2 =	simm.s32 @!p0 $0x1C05  }
0x21a: {  	[timem:s3], [sflag:s2] =	dma.local @!p0 [hbm:s0], s1  }
0x21b: {  	s0 =	simm.s32 @!p0 $0x5  }
0x21c: {  	_ =	swait.ge @!p0 [sflag:s0], s1  }
0x21d: {  	s1 =	ssub.s32 @!p0 $0x0, s1;
	[sflag:s0] =	ssyncset.done @!p0 $0x0  }
0x21e: {  	[sflag:s0] =	ssyncadd.s32 @!p0 s1  }
0x21f: {  	[bflag:$0x3] =	sbarrier.arrive $0xFFFF  }
0x220: {  	_ =	shalt  }

</sc_bundles>
